<compile_context>
chip_gen: v7x
topology: tpu7x:2x2x1
jax: 0.10.2.dev20260603
libtpu: 0.0.44.dev20260713+nightly
codegen_flags: <defaults>
</compile_context>

<pallas_src>
import functools

import jax
import jax.numpy as jnp
import numpy as np
from jax.experimental import pallas as pl
from jax.experimental.pallas import tpu as pltpu
from jax.experimental.pallas import tpu_sc as plsc

_B = 1024
_D = 64
_N = 100000
_K = 3
_L = 2
_NL = 12

_TN = 2000
_NT = (_N + _TN - 1) // _TN
_NEG = -3.0e38
_FBIG = 3.0e38

_NC = 2
_NS = 16
_NW = _NC * _NS
_BK = _B * _K
_GW = _BK // _NW
_DP = 128


def _topk_body(q_ref, db_ref, nrm_ref, s_ref, i_ref, p_ref):
    pid = pl.program_id(0)

    @pl.when(pid == 0)
    def _init():
        s_ref[...] = jnp.full(s_ref.shape, _NEG, jnp.float32)
        i_ref[...] = jnp.zeros(i_ref.shape, jnp.float32)

    qn = q_ref[...]
    fn = db_ref[:, 0:_D] / nrm_ref[...]
    p_ref[:, 0:_D] = fn
    p_ref[:, _D:_D + 1] = db_ref[:, _D:_D + 1]
    sims = jax.lax.dot_general(qn.astype(jnp.bfloat16),
                               fn.astype(jnp.bfloat16),
                               (((1,), (1,)), ((), ())),
                               preferred_element_type=jnp.float32)
    base = jax.lax.convert_element_type(pid * _TN, jnp.float32)
    colid = jax.lax.broadcasted_iota(
        jnp.int32, sims.shape, 1).astype(jnp.float32) + base

    for j in range(_K):
        m = jnp.max(sims, axis=1, keepdims=True)
        gi = jnp.min(jnp.where(sims == m, colid, _FBIG), axis=1, keepdims=True)
        if j < _K - 1:
            sims = jnp.where(colid == gi, _NEG, sims)
        s0 = s_ref[:, 0:1]
        s1 = s_ref[:, 1:2]
        s2 = s_ref[:, 2:3]
        i0 = i_ref[:, 0:1]
        i1 = i_ref[:, 1:2]
        i2 = i_ref[:, 2:3]
        b0 = m > s0
        b1 = m > s1
        b2 = m > s2
        s_ref[:, 0:1] = jnp.where(b0, m, s0)
        s_ref[:, 1:2] = jnp.where(b0, s0, jnp.where(b1, m, s1))
        s_ref[:, 2:3] = jnp.where(b1, s1, jnp.where(b2, m, s2))
        i_ref[:, 0:1] = jnp.where(b0, gi, i0)
        i_ref[:, 1:2] = jnp.where(b0, i0, jnp.where(b1, gi, i1))
        i_ref[:, 2:3] = jnp.where(b1, i1, jnp.where(b2, gi, i2))


def _topk_call(qn, database, norms):
    return pl.pallas_call(
        _topk_body,
        grid=(_NT,),
        in_specs=[
            pl.BlockSpec((_B, _D), lambda i: (0, 0)),
            pl.BlockSpec((_TN, _D + 1), lambda i: (i, 0)),
            pl.BlockSpec((_TN, 1), lambda i: (i, 0)),
        ],
        out_specs=[
            pl.BlockSpec((_B, 8), lambda i: (0, 0)),
            pl.BlockSpec((_B, 8), lambda i: (0, 0)),
            pl.BlockSpec((_TN, _DP), lambda i: (i, 0)),
        ],
        out_shape=[
            jax.ShapeDtypeStruct((_B, 8), jnp.float32),
            jax.ShapeDtypeStruct((_B, 8), jnp.float32),
            jax.ShapeDtypeStruct((_NT * _TN, _DP), jnp.float32),
        ],
    )(qn, database, norms)


def _gather_body(tbl_hbm, idx_hbm, out_hbm, idx_v, rows_v, sem):
    wid = jax.lax.axis_index("s") * _NC + jax.lax.axis_index("c")
    base = wid * _GW
    pltpu.sync_copy(idx_hbm.at[pl.ds(base, _GW)], idx_v)
    pltpu.async_copy(tbl_hbm.at[idx_v], rows_v, sem).wait()
    pltpu.sync_copy(rows_v, out_hbm.at[pl.ds(base, _GW)])


def _gather_call(table, idx):
    mesh = plsc.VectorSubcoreMesh(core_axis_name="c", subcore_axis_name="s")
    k = functools.partial(
        pl.kernel,
        mesh=mesh,
        out_type=jax.ShapeDtypeStruct((_BK, _DP), jnp.float32),
        scratch_types=[
            pltpu.VMEM((_GW,), jnp.int32),
            pltpu.VMEM((_GW, _DP), jnp.float32),
            pltpu.SemaphoreType.DMA,
        ],
    )(_gather_body)
    return k(table, idx)


def _mea_body(hx_ref, g_ref, sc_ref, wq_ref, wk_ref, wv_ref, wo_ref,
              bq_ref, bk_ref, bv_ref, bo_ref, dw_ref, db_ref, ow_ref,
              ob_ref, out_ref):
    g = g_ref[...]
    fn = g[:, 0:_D]
    lb = g[:, _D:_D + 1]
    lbi = lb.astype(jnp.int32)
    sc = sc_ref[...]
    iota64 = jax.lax.broadcasted_iota(jnp.int32, (_BK, _D), 1)
    cls = jnp.where(iota64 == lbi, 1.0, 0.0).astype(jnp.float32) * sc
    h = [cls, hx_ref[...], fn]

    def mm(a, w):
        return jax.lax.dot_general(a.astype(jnp.bfloat16),
                                   w.astype(jnp.bfloat16),
                                   (((1,), (0,)), ((), ())),
                                   preferred_element_type=jnp.float32)

    def tb(x):
        return x.astype(jnp.bfloat16).astype(jnp.float32)

    for i in range(_L):
        wq = wq_ref[i]
        wk = wk_ref[i]
        wv = wv_ref[i]
        wo = wo_ref[i]
        bq = bq_ref[i]
        bk = bk_ref[i]
        bv = bv_ref[i]
        bo = bo_ref[i]
        qs = [mm(t, wq) + bq for t in h]
        ks = [mm(t, wk) + bk for t in h]
        vs = [mm(t, wv) + bv for t in h]
        qs = [tb(t) for t in qs]
        ks = [tb(t) for t in ks]
        vbs = [tb(t) for t in vs]
        newh = []
        for s in range(3):
            e = [jnp.sum(qs[s] * ks[t], axis=1, keepdims=True) * 0.25
                 for t in range(3)]
            m = jnp.maximum(jnp.maximum(e[0], e[1]), e[2])
            x = [jnp.exp(et - m) for et in e]
            den = x[0] + x[1] + x[2]
            a = [tb(xt / den) for xt in x]
            o = a[0] * vbs[0] + a[1] * vbs[1] + a[2] * vbs[2]
            newh.append(mm(o, wo) + bo)
        h = newh

    x = jnp.tanh(mm(h[0], dw_ref[...]) + db_ref[...])
    lg = mm(x, ow_ref[...]) + ob_ref[...]
    iota128 = jax.lax.broadcasted_iota(jnp.int32, (_BK, 128), 1)
    oh = jnp.where(iota128 == lbi, 1.0, 0.0).astype(jnp.float32)
    comb = 0.5 * lg + 0.5 * oh
    r = comb.reshape(_B, _K, 128)
    out_ref[...] = jnp.sum(r, axis=1) * (1.0 / _K)


def _mea_call(hx, g, sc3, wq, wk, wv, wo, bq, bk, bv, bo, dw, dbias, ow, ob):
    return pl.pallas_call(
        _mea_body,
        out_shape=jax.ShapeDtypeStruct((_B, 128), jnp.float32),
    )(hx, g, sc3, wq, wk, wv, wo, bq, bk, bv, bo, dw, dbias, ow, ob)


def kernel(queries, database, WQ, bQ, WK, bK, WV, bV, WO, bO,
           dense_W, dense_b, out_W, out_b):
    norms = jnp.linalg.norm(database[:, :_D], axis=-1, keepdims=True)
    qn = queries / jnp.linalg.norm(queries, axis=-1, keepdims=True)
    s_out, i_out, dbp = _topk_call(qn, database, norms)
    idx = i_out[:, :_K].astype(jnp.int32).reshape(-1)
    g = _gather_call(dbp, idx)
    hx = jnp.broadcast_to(queries[:, None, :], (_B, _K, _D)).reshape(_BK, _D)
    sc3 = s_out[:, :_K].reshape(_BK, 1)
    wq = jnp.swapaxes(WQ, 1, 2)
    wk = jnp.swapaxes(WK, 1, 2)
    wv = jnp.swapaxes(WV, 1, 2)
    wo = jnp.swapaxes(WO, 1, 2)
    bq = bQ.reshape(_L, 1, _D)
    bk = bK.reshape(_L, 1, _D)
    bv = bV.reshape(_L, 1, _D)
    bo = bO.reshape(_L, 1, _D)
    dw = dense_W.T
    dbias = dense_b.reshape(1, _D)
    ow = jnp.zeros((_D, 128), jnp.float32).at[:, :_NL].set(out_W.T)
    ob = jnp.zeros((1, 128), jnp.float32).at[0, :_NL].set(out_b)
    full = _mea_call(hx, g, sc3, wq, wk, wv, wo, bq, bk, bv, bo,
                     dw, dbias, ow, ob)
    return full[:, :_NL]

# --- scband reference (transcript-rebuilt; emitter-appended) ---
"""Pipeline reference for scband-meatransformer-12678743458468 (READ-ONLY COPY).

The authoritative reference and input builder live on the scoring server;
editing this copy changes nothing except your own understanding.
"""

import jax, jax.numpy as jnp
import numpy as np

B = 1024
D = 64
N = 100000
K = 3
L = 2
NUM_LABELS = 12
HEADS = 4
RATIO = 0.5


def setup_inputs(seed: int = 0) -> dict:
    key = jax.random.key(seed)
    ks = jax.random.split(key, 20)
    queries = jax.random.normal(ks[0], (B, D), dtype=jnp.float32)
    feats = jax.random.normal(ks[1], (N, D), dtype=jnp.float32)
    labels = jax.random.randint(ks[2], (N,), 0, NUM_LABELS).astype(jnp.float32)
    database = jnp.concatenate([feats, labels[:, None]], axis=1)  # [N, D+1]
    s = 1.0 / np.sqrt(D)
    WQ = jax.random.normal(ks[3], (L, D, D), jnp.float32) * s
    bQ = jnp.zeros((L, D), jnp.float32)
    WK = jax.random.normal(ks[4], (L, D, D), jnp.float32) * s
    bK = jnp.zeros((L, D), jnp.float32)
    WV = jax.random.normal(ks[5], (L, D, D), jnp.float32) * s
    bV = jnp.zeros((L, D), jnp.float32)
    WO = jax.random.normal(ks[6], (L, D, D), jnp.float32) * s
    bO = jnp.zeros((L, D), jnp.float32)
    dense_W = jax.random.normal(ks[7], (D, D), jnp.float32) * s
    dense_b = jnp.zeros((D,), jnp.float32)
    out_W = jax.random.normal(ks[8], (NUM_LABELS, D), jnp.float32) * s
    out_b = jnp.zeros((NUM_LABELS,), jnp.float32)
    return {"queries": queries, "database": database, "WQ": WQ, "bQ": bQ,
            "WK": WK, "bK": bK, "WV": WV, "bV": bV, "WO": WO, "bO": bO,
            "dense_W": dense_W, "dense_b": dense_b, "out_W": out_W, "out_b": out_b}


def reference(queries, database, WQ, bQ, WK, bK, WV, bV, WO, bO,
              dense_W, dense_b, out_W, out_b):
    # SearchLayer init: normalize rows, transpose
    feats = database[:, :-1]
    feats = feats / jnp.linalg.norm(feats, axis=-1, keepdims=True)
    weight = feats.T  # [D, N]
    label = database[:, -1]  # [N]
    # SearchLayer.forward (brute-force kNN)
    qn = queries / jnp.linalg.norm(queries, axis=-1, keepdims=True)
    sims = qn @ weight  # [B, N]
    top_k_scores, top_k_indices = jax.lax.top_k(sims, K)  # [B, K]
    top_k_labels = label[top_k_indices]  # [B, K]
    top_k_seqs = weight.T[top_k_indices.reshape(-1)]  # [B*K, D]
    # Build H_cxr
    H_r = top_k_seqs[:, None, :]  # [B*K, 1, D]
    H_x = jnp.repeat(queries, K, axis=0)[:, None, :]  # [B*K, 1, D]
    CLS = jax.nn.one_hot(top_k_labels.astype(jnp.int32), D, dtype=jnp.float32)
    CLS = CLS.reshape(-1, 1, D)
    CLS = CLS * top_k_scores.reshape(-1, 1, 1)
    H = jnp.concatenate([CLS, H_x, H_r], axis=1)  # [B*K, 3, D]
    d_k = D // HEADS
    for i in range(L):
        Q = H @ WQ[i].T + bQ[i]
        Kt = H @ WK[i].T + bK[i]
        att = (Q @ jnp.swapaxes(Kt, -2, -1)) / np.sqrt(d_k)
        A = jax.nn.softmax(att, axis=-1)
        Hx = H[:, :2, :]
        Hr = H[:, 2:, :]
        Ax = A[:, :, :2]
        Ar = A[:, :, 2:]
        Vx = Hx @ WV[i].T + bV[i]
        Vr = Hr @ WV[i].T + bV[i]
        attn_out = Ax @ Vx + Ar @ Vr
        H = attn_out @ WO[i].T + bO[i]
    # Classification head
    x = H[:, 0, :]
    x = jnp.tanh(x @ dense_W.T + dense_b)
    x = x @ out_W.T + out_b  # [B*K, NUM_LABELS]
    logits = x.reshape(-1, K, NUM_LABELS).mean(axis=1)  # [B, NUM_LABELS]
    # Retrieval logits
    oh = jax.nn.one_hot(top_k_labels.astype(jnp.int32), NUM_LABELS, dtype=jnp.float32)
    agg = oh.sum(axis=1)
    retr = agg / agg.sum(axis=-1, keepdims=True)
    return logits * (1.0 - RATIO) + retr * RATIO

if __name__ == "__main__":
    import jax
    _d = setup_inputs()
    print(jax.jit(kernel)(*tuple(_d.values())))

</pallas_src>

<mosaic_0001>
#map = affine_map<(d0, d1) -> (0, 0)>
#map1 = affine_map<(d0, d1) -> (0)>
module attributes {stable_mosaic.version = 14 : i64} {
  func.func @_gather_body(%arg0: i32, %arg1: i32, %arg2: memref<100000x128xf32, #tpu.memory_space<hbm>>, %arg3: memref<3072xi32, #tpu.memory_space<hbm>>, %arg4: memref<3072x128xf32, #tpu.memory_space<hbm>>, %arg5: memref<96xi32, #tpu.memory_space<vmem>>, %arg6: memref<96x128xf32, #tpu.memory_space<vmem>>, %arg7: memref<!tpu.dma_semaphore, #tpu.memory_space<semaphore_mem>>) attributes {dimension_semantics = [#tpu.dimension_semantics<core_parallel>, #tpu.dimension_semantics<subcore_parallel>], iteration_bounds = array<i64: 2, 16>, scalar_prefetch = 0 : i64, scratch_operands = 3 : i64, tpu.core_type = #tpu.core_type<sc_vector_subcore>, window_params = [{transform_indices = #map}, {transform_indices = #map1}, {transform_indices = #map}]} {
    %mul3A = arith.constant 2 : i32
    %mul3A_0 = arith.muli %arg1, %mul3A : i32
    %add3A = arith.addi %mul3A_0, %arg0 : i32
    %mul3A_1 = arith.constant 96 : i32
    %mul3A_2 = arith.muli %add3A, %mul3A_1 : i32
    "tpu.region"() ({
      %run_scoped3A = tpu.sem_alloc : memref<!tpu.dma_semaphore, #tpu.memory_space<semaphore_mem>>
      %dma_start3A_7 = tpu.memref_slice %arg3[%mul3A_2] : memref<3072xi32, #tpu.memory_space<hbm>> -> memref<96xi32, #tpu.memory_space<hbm>>
      %dma_start3A_8 = tpu.memref_slice %arg3[%mul3A_2] : memref<3072xi32, #tpu.memory_space<hbm>> -> memref<96xi32, #tpu.memory_space<hbm>>
      tpu.enqueue_dma source(%dma_start3A_8 : memref<96xi32, #tpu.memory_space<hbm>>) target(%arg5 : memref<96xi32, #tpu.memory_space<vmem>>) target_semaphore(%run_scoped3A : memref<!tpu.dma_semaphore, #tpu.memory_space<semaphore_mem>>)
      %dma_wait3A_9 = tpu.memref_slice %arg3[%mul3A_2] : memref<3072xi32, #tpu.memory_space<hbm>> -> memref<96xi32, #tpu.memory_space<hbm>>
      %dma_wait3A_10 = tpu.memref_slice %arg3[%mul3A_2] : memref<3072xi32, #tpu.memory_space<hbm>> -> memref<96xi32, #tpu.memory_space<hbm>>
      tpu.wait_dma2 semaphore(%run_scoped3A : memref<!tpu.dma_semaphore, #tpu.memory_space<semaphore_mem>>) src(%dma_wait3A_10 : memref<96xi32, #tpu.memory_space<hbm>>) dst(%arg5 : memref<96xi32, #tpu.memory_space<vmem>>)
      tpu.yield
    }) : () -> ()
    %dma_start3A = arith.constant 0 : i32
    %dma_start3A_3 = arith.constant 0 : i32
    %dma_start3A_4 = tpu.memref_slice %arg2[%dma_start3A, %dma_start3A_3] : memref<100000x128xf32, #tpu.memory_space<hbm>> -> memref<100000x128xf32, #tpu.memory_space<hbm>>
    tpu.enqueue_indirect_dma source(%dma_start3A_4 : memref<100000x128xf32, #tpu.memory_space<hbm>>) target(%arg6 : memref<96x128xf32, #tpu.memory_space<vmem>>) offsets(%arg5 : memref<96xi32, #tpu.memory_space<vmem>>) semaphore(%arg7 : memref<!tpu.dma_semaphore, #tpu.memory_space<semaphore_mem>>)
    %dma_wait3A = arith.constant 0 : i32
    %dma_wait3A_5 = arith.constant 0 : i32
    %dma_wait3A_6 = tpu.memref_slice %arg2[%dma_wait3A, %dma_wait3A_5] : memref<100000x128xf32, #tpu.memory_space<hbm>> -> memref<100000x128xf32, #tpu.memory_space<hbm>>
    tpu.wait_indirect_dma semaphore(%arg7 : memref<!tpu.dma_semaphore, #tpu.memory_space<semaphore_mem>>) src(%dma_wait3A_6 : memref<100000x128xf32, #tpu.memory_space<hbm>>) dst(%arg6 : memref<96x128xf32, #tpu.memory_space<vmem>>)
    "tpu.region"() ({
      %run_scoped3A = tpu.sem_alloc : memref<!tpu.dma_semaphore, #tpu.memory_space<semaphore_mem>>
      %dma_start3A_7 = arith.constant 0 : i32
      %dma_start3A_8 = tpu.memref_slice %arg4[%mul3A_2, %dma_start3A_7] : memref<3072x128xf32, #tpu.memory_space<hbm>> -> memref<96x128xf32, #tpu.memory_space<hbm>>
      %dma_start3A_9 = arith.constant 0 : i32
      %dma_start3A_10 = tpu.memref_slice %arg4[%mul3A_2, %dma_start3A_9] : memref<3072x128xf32, #tpu.memory_space<hbm>> -> memref<96x128xf32, #tpu.memory_space<hbm>>
      tpu.enqueue_dma source(%arg6 : memref<96x128xf32, #tpu.memory_space<vmem>>) target(%dma_start3A_10 : memref<96x128xf32, #tpu.memory_space<hbm>>) target_semaphore(%run_scoped3A : memref<!tpu.dma_semaphore, #tpu.memory_space<semaphore_mem>>)
      %dma_wait3A_11 = arith.constant 0 : i32
      %dma_wait3A_12 = tpu.memref_slice %arg4[%mul3A_2, %dma_wait3A_11] : memref<3072x128xf32, #tpu.memory_space<hbm>> -> memref<96x128xf32, #tpu.memory_space<hbm>>
      %dma_wait3A_13 = arith.constant 0 : i32
      %dma_wait3A_14 = tpu.memref_slice %arg4[%mul3A_2, %dma_wait3A_13] : memref<3072x128xf32, #tpu.memory_space<hbm>> -> memref<96x128xf32, #tpu.memory_space<hbm>>
      tpu.wait_dma2 semaphore(%run_scoped3A : memref<!tpu.dma_semaphore, #tpu.memory_space<semaphore_mem>>) src(%arg6 : memref<96x128xf32, #tpu.memory_space<vmem>>) dst(%dma_wait3A_14 : memref<96x128xf32, #tpu.memory_space<hbm>>)
      tpu.yield
    }) : () -> ()
    return
  }
}

module attributes {stable_mosaic.version = 14 : i64} {
  func.func @_topk_body(%arg0: i32, %arg1: memref<1024x64xf32, #tpu.memory_space<vmem>>, %arg2: memref<2000x65xf32, #tpu.memory_space<vmem>>, %arg3: memref<2000x1xf32, #tpu.memory_space<vmem>>, %arg4: memref<1024x8xf32, #tpu.memory_space<vmem>>, %arg5: memref<1024x8xf32, #tpu.memory_space<vmem>>, %arg6: memref<2000x128xf32, #tpu.memory_space<vmem>>) attributes {dimension_semantics = [#tpu.dimension_semantics<arbitrary>], iteration_bounds = array<i64: 50>, scalar_prefetch = 0 : i64, scratch_operands = 0 : i64, tpu.core_type = #tpu.core_type<tc>, window_params = [{pipeline_mode = #tpu.pipeline_mode<synchronous>, transform_indices = @transform_0, window_bounds = array<i64: 1024, 64>}, {transform_indices = @transform_1, window_bounds = array<i64: 2000, 65>}, {transform_indices = @transform_2, window_bounds = array<i64: 2000, 1>}, {pipeline_mode = #tpu.pipeline_mode<synchronous>, transform_indices = @transform_3, window_bounds = array<i64: 1024, 8>}, {pipeline_mode = #tpu.pipeline_mode<synchronous>, transform_indices = @transform_4, window_bounds = array<i64: 1024, 8>}, {transform_indices = @transform_5, window_bounds = array<i64: 2000, 128>}]} {
    %eq3A = arith.constant 0 : i32
    %eq3A_0 = arith.cmpi eq, %arg0, %eq3A : i32
    %convert_element_type3A = arith.extui %eq3A_0 : i1 to i32
    %cond3A = arith.constant 0 : i32
    %cond3A_1 = arith.cmpi ne, %convert_element_type3A, %cond3A : i32
    scf.if %cond3A_1 {
      %broadcast_in_dim3A_210 = arith.constant -3.000000e+38 : f32
      %broadcast_in_dim3A_211 = vector.broadcast %broadcast_in_dim3A_210 : f32 to vector<1024x8xf32>
      %swap3A_212 = arith.constant 0 : index
      %swap3A_213 = arith.constant 0 : index
      %swap3A_214 = vector.load %arg4[%swap3A_212, %swap3A_213] : memref<1024x8xf32, #tpu.memory_space<vmem>>, vector<1024x8xf32>
      tpu.vector_store %arg4[%swap3A_212, %swap3A_213], %broadcast_in_dim3A_211 {strides = array<i32>} : memref<1024x8xf32, #tpu.memory_space<vmem>>, vector<1024x8xf32>,
      %broadcast_in_dim3A_215 = arith.constant 0.000000e+00 : f32
      %broadcast_in_dim3A_216 = vector.broadcast %broadcast_in_dim3A_215 : f32 to vector<1024x8xf32>
      %swap3A_217 = arith.constant 0 : index
      %swap3A_218 = arith.constant 0 : index
      %swap3A_219 = vector.load %arg5[%swap3A_217, %swap3A_218] : memref<1024x8xf32, #tpu.memory_space<vmem>>, vector<1024x8xf32>
      tpu.vector_store %arg5[%swap3A_217, %swap3A_218], %broadcast_in_dim3A_216 {strides = array<i32>} : memref<1024x8xf32, #tpu.memory_space<vmem>>, vector<1024x8xf32>,
    } else {
    }
    %get3A = arith.constant 0 : index
    %get3A_2 = arith.constant 0 : index
    %get3A_3 = vector.load %arg1[%get3A, %get3A_2] : memref<1024x64xf32, #tpu.memory_space<vmem>>, vector<1024x64xf32>
    %get3A_4 = arith.constant 0 : index
    %get3A_5 = arith.constant 0 : index
    %get3A_6 = vector.load %arg2[%get3A_4, %get3A_5] : memref<2000x65xf32, #tpu.memory_space<vmem>>, vector<2000x64xf32>
    %get3A_7 = arith.constant 0 : index
    %get3A_8 = arith.constant 0 : index
    %get3A_9 = vector.load %arg3[%get3A_7, %get3A_8] : memref<2000x1xf32, #tpu.memory_space<vmem>>, vector<2000x1xf32>
    %div3A = vector.broadcast %get3A_9 : vector<2000x1xf32> to vector<2000x64xf32>
    %div3A_10 = arith.divf %get3A_6, %div3A : vector<2000x64xf32>
    %swap3A = arith.constant 0 : index
    %swap3A_11 = arith.constant 0 : index
    %swap3A_12 = vector.load %arg6[%swap3A, %swap3A_11] : memref<2000x128xf32, #tpu.memory_space<vmem>>, vector<2000x64xf32>
    tpu.vector_store %arg6[%swap3A, %swap3A_11], %div3A_10 {strides = array<i32>} : memref<2000x128xf32, #tpu.memory_space<vmem>>, vector<2000x64xf32>,
    %get3A_13 = arith.constant 0 : index
    %get3A_14 = arith.constant 64 : index
    %get3A_15 = vector.load %arg2[%get3A_13, %get3A_14] : memref<2000x65xf32, #tpu.memory_space<vmem>>, vector<2000x1xf32>
    %swap3A_16 = arith.constant 0 : index
    %swap3A_17 = arith.constant 64 : index
    %swap3A_18 = vector.load %arg6[%swap3A_16, %swap3A_17] : memref<2000x128xf32, #tpu.memory_space<vmem>>, vector<2000x1xf32>
    tpu.vector_store %arg6[%swap3A_16, %swap3A_17], %get3A_15 {strides = array<i32>} : memref<2000x128xf32, #tpu.memory_space<vmem>>, vector<2000x1xf32>,
    %convert_element_type3A_19 = arith.truncf %get3A_3 : vector<1024x64xf32> to vector<1024x64xbf16>
    %convert_element_type3A_20 = arith.truncf %div3A_10 : vector<2000x64xf32> to vector<2000x64xbf16>
    %dot_general3A = arith.constant dense<0.000000e+00> : vector<1024x2000xf32>
    %dot_general3A_21 = tpu.matmul %convert_element_type3A_19, %convert_element_type3A_20, %dot_general3A {dimension_numbers = #tpu.dot_dimension_numbers<[1], [1], [0], [0], [0, 0, 1, 0], [], []>, transpose_lhs_hint = false} : vector<1024x64xbf16>, vector<2000x64xbf16>, vector<1024x2000xf32> -> vector<1024x2000xf32>
    %mul3A = arith.constant 2000 : i32
    %mul3A_22 = arith.muli %arg0, %mul3A : i32
    %convert_element_type3A_23 = arith.sitofp %mul3A_22 : i32 to f32
    %iota3A = tpu.iota {dimensions = array<i32: 1>} : vector<1024x2000xi32>
    %convert_element_type3A_24 = arith.sitofp %iota3A : vector<1024x2000xi32> to vector<1024x2000xf32>
    %add3A = vector.broadcast %convert_element_type3A_23 : f32 to vector<1024x2000xf32>
    %add3A_25 = arith.addf %convert_element_type3A_24, %add3A : vector<1024x2000xf32>
    %reduce_max3A = arith.constant dense<0xFF800000> : vector<1024xf32>
    %reduce_max3A_26 = vector.multi_reduction <maximumf>, %dot_general3A_21, %reduce_max3A [1] : vector<1024x2000xf32> to vector<1024xf32>
    %broadcast_in_dim3A = vector.shape_cast %reduce_max3A_26 : vector<1024xf32> to vector<1024x1xf32>
    %eq3A_27 = vector.broadcast %broadcast_in_dim3A : vector<1024x1xf32> to vector<1024x2000xf32>
    %eq3A_28 = arith.cmpf oeq, %dot_general3A_21, %eq3A_27 : vector<1024x2000xf32>
    %jit3A = arith.constant 3.000000e+38 : f32
    %broadcast_in_dim3A_29 = vector.broadcast %jit3A : f32 to vector<1024x2000xf32>
    %select_n3A = arith.select %eq3A_28, %add3A_25, %broadcast_in_dim3A_29 : vector<1024x2000xi1>, vector<1024x2000xf32>
    %reduce_min3A = arith.constant dense<0x7F800000> : vector<1024xf32>
    %reduce_min3A_30 = vector.multi_reduction <minimumf>, %select_n3A, %reduce_min3A [1] : vector<1024x2000xf32> to vector<1024xf32>
    %broadcast_in_dim3A_31 = vector.shape_cast %reduce_min3A_30 : vector<1024xf32> to vector<1024x1xf32>
    %eq3A_32 = vector.broadcast %broadcast_in_dim3A_31 : vector<1024x1xf32> to vector<1024x2000xf32>
    %eq3A_33 = arith.cmpf oeq, %add3A_25, %eq3A_32 : vector<1024x2000xf32>
    %jit3A_34 = arith.constant -3.000000e+38 : f32
    %broadcast_in_dim3A_35 = vector.broadcast %jit3A_34 : f32 to vector<1024x2000xf32>
    %select_n3A_36 = arith.select %eq3A_33, %broadcast_in_dim3A_35, %dot_general3A_21 : vector<1024x2000xi1>, vector<1024x2000xf32>
    %get3A_37 = arith.constant 0 : index
    %get3A_38 = arith.constant 0 : index
    %get3A_39 = vector.load %arg4[%get3A_37, %get3A_38] : memref<1024x8xf32, #tpu.memory_space<vmem>>, vector<1024x1xf32>
    %get3A_40 = arith.constant 0 : index
    %get3A_41 = arith.constant 1 : index
    %get3A_42 = vector.load %arg4[%get3A_40, %get3A_41] : memref<1024x8xf32, #tpu.memory_space<vmem>>, vector<1024x1xf32>
    %get3A_43 = arith.constant 0 : index
    %get3A_44 = arith.constant 2 : index
    %get3A_45 = vector.load %arg4[%get3A_43, %get3A_44] : memref<1024x8xf32, #tpu.memory_space<vmem>>, vector<1024x1xf32>
    %get3A_46 = arith.constant 0 : index
    %get3A_47 = arith.constant 0 : index
    %get3A_48 = vector.load %arg5[%get3A_46, %get3A_47] : memref<1024x8xf32, #tpu.memory_space<vmem>>, vector<1024x1xf32>
    %get3A_49 = arith.constant 0 : index
    %get3A_50 = arith.constant 1 : index
    %get3A_51 = vector.load %arg5[%get3A_49, %get3A_50] : memref<1024x8xf32, #tpu.memory_space<vmem>>, vector<1024x1xf32>
    %get3A_52 = arith.constant 0 : index
    %get3A_53 = arith.constant 2 : index
    %get3A_54 = vector.load %arg5[%get3A_52, %get3A_53] : memref<1024x8xf32, #tpu.memory_space<vmem>>, vector<1024x1xf32>
    %gt3A = arith.cmpf ogt, %broadcast_in_dim3A, %get3A_39 : vector<1024x1xf32>
    %gt3A_55 = arith.cmpf ogt, %broadcast_in_dim3A, %get3A_42 : vector<1024x1xf32>
    %gt3A_56 = arith.cmpf ogt, %broadcast_in_dim3A, %get3A_45 : vector<1024x1xf32>
    %select_n3A_57 = arith.select %gt3A, %broadcast_in_dim3A, %get3A_39 : vector<1024x1xi1>, vector<1024x1xf32>
    %swap3A_58 = arith.constant 0 : index
    %swap3A_59 = arith.constant 0 : index
    %swap3A_60 = vector.load %arg4[%swap3A_58, %swap3A_59] : memref<1024x8xf32, #tpu.memory_space<vmem>>, vector<1024x1xf32>
    tpu.vector_store %arg4[%swap3A_58, %swap3A_59], %select_n3A_57 {strides = array<i32>} : memref<1024x8xf32, #tpu.memory_space<vmem>>, vector<1024x1xf32>,
    %select_n3A_61 = arith.select %gt3A_55, %broadcast_in_dim3A, %get3A_42 : vector<1024x1xi1>, vector<1024x1xf32>
    %select_n3A_62 = arith.select %gt3A, %get3A_39, %select_n3A_61 : vector<1024x1xi1>, vector<1024x1xf32>
    %swap3A_63 = arith.constant 0 : index
    %swap3A_64 = arith.constant 1 : index
    %swap3A_65 = vector.load %arg4[%swap3A_63, %swap3A_64] : memref<1024x8xf32, #tpu.memory_space<vmem>>, vector<1024x1xf32>
    tpu.vector_store %arg4[%swap3A_63, %swap3A_64], %select_n3A_62 {strides = array<i32>} : memref<1024x8xf32, #tpu.memory_space<vmem>>, vector<1024x1xf32>,
    %select_n3A_66 = arith.select %gt3A_56, %broadcast_in_dim3A, %get3A_45 : vector<1024x1xi1>, vector<1024x1xf32>
    %select_n3A_67 = arith.select %gt3A_55, %get3A_42, %select_n3A_66 : vector<1024x1xi1>, vector<1024x1xf32>
    %swap3A_68 = arith.constant 0 : index
    %swap3A_69 = arith.constant 2 : index
    %swap3A_70 = vector.load %arg4[%swap3A_68, %swap3A_69] : memref<1024x8xf32, #tpu.memory_space<vmem>>, vector<1024x1xf32>
    tpu.vector_store %arg4[%swap3A_68, %swap3A_69], %select_n3A_67 {strides = array<i32>} : memref<1024x8xf32, #tpu.memory_space<vmem>>, vector<1024x1xf32>,
    %select_n3A_71 = arith.select %gt3A, %broadcast_in_dim3A_31, %get3A_48 : vector<1024x1xi1>, vector<1024x1xf32>
    %swap3A_72 = arith.constant 0 : index
    %swap3A_73 = arith.constant 0 : index
    %swap3A_74 = vector.load %arg5[%swap3A_72, %swap3A_73] : memref<1024x8xf32, #tpu.memory_space<vmem>>, vector<1024x1xf32>
    tpu.vector_store %arg5[%swap3A_72, %swap3A_73], %select_n3A_71 {strides = array<i32>} : memref<1024x8xf32, #tpu.memory_space<vmem>>, vector<1024x1xf32>,
    %select_n3A_75 = arith.select %gt3A_55, %broadcast_in_dim3A_31, %get3A_51 : vector<1024x1xi1>, vector<1024x1xf32>
    %select_n3A_76 = arith.select %gt3A, %get3A_48, %select_n3A_75 : vector<1024x1xi1>, vector<1024x1xf32>
    %swap3A_77 = arith.constant 0 : index
    %swap3A_78 = arith.constant 1 : index
    %swap3A_79 = vector.load %arg5[%swap3A_77, %swap3A_78] : memref<1024x8xf32, #tpu.memory_space<vmem>>, vector<1024x1xf32>
    tpu.vector_store %arg5[%swap3A_77, %swap3A_78], %select_n3A_76 {strides = array<i32>} : memref<1024x8xf32, #tpu.memory_space<vmem>>, vector<1024x1xf32>,
    %select_n3A_80 = arith.select %gt3A_56, %broadcast_in_dim3A_31, %get3A_54 : vector<1024x1xi1>, vector<1024x1xf32>
    %select_n3A_81 = arith.select %gt3A_55, %get3A_51, %select_n3A_80 : vector<1024x1xi1>, vector<1024x1xf32>
    %swap3A_82 = arith.constant 0 : index
    %swap3A_83 = arith.constant 2 : index
    %swap3A_84 = vector.load %arg5[%swap3A_82, %swap3A_83] : memref<1024x8xf32, #tpu.memory_space<vmem>>, vector<1024x1xf32>
    tpu.vector_store %arg5[%swap3A_82, %swap3A_83], %select_n3A_81 {strides = array<i32>} : memref<1024x8xf32, #tpu.memory_space<vmem>>, vector<1024x1xf32>,
    %reduce_max3A_85 = arith.constant dense<0xFF800000> : vector<1024xf32>
    %reduce_max3A_86 = vector.multi_reduction <maximumf>, %select_n3A_36, %reduce_max3A_85 [1] : vector<1024x2000xf32> to vector<1024xf32>
    %broadcast_in_dim3A_87 = vector.shape_cast %reduce_max3A_86 : vector<1024xf32> to vector<1024x1xf32>
    %eq3A_88 = vector.broadcast %broadcast_in_dim3A_87 : vector<1024x1xf32> to vector<1024x2000xf32>
    %eq3A_89 = arith.cmpf oeq, %select_n3A_36, %eq3A_88 : vector<1024x2000xf32>
    %jit3A_90 = arith.constant 3.000000e+38 : f32
    %broadcast_in_dim3A_91 = vector.broadcast %jit3A_90 : f32 to vector<1024x2000xf32>
    %select_n3A_92 = arith.select %eq3A_89, %add3A_25, %broadcast_in_dim3A_91 : vector<1024x2000xi1>, vector<1024x2000xf32>
    %reduce_min3A_93 = arith.constant dense<0x7F800000> : vector<1024xf32>
    %reduce_min3A_94 = vector.multi_reduction <minimumf>, %select_n3A_92, %reduce_min3A_93 [1] : vector<1024x2000xf32> to vector<1024xf32>
    %broadcast_in_dim3A_95 = vector.shape_cast %reduce_min3A_94 : vector<1024xf32> to vector<1024x1xf32>
    %eq3A_96 = vector.broadcast %broadcast_in_dim3A_95 : vector<1024x1xf32> to vector<1024x2000xf32>
    %eq3A_97 = arith.cmpf oeq, %add3A_25, %eq3A_96 : vector<1024x2000xf32>
    %jit3A_98 = arith.constant -3.000000e+38 : f32
    %broadcast_in_dim3A_99 = vector.broadcast %jit3A_98 : f32 to vector<1024x2000xf32>
    %select_n3A_100 = arith.select %eq3A_97, %broadcast_in_dim3A_99, %select_n3A_36 : vector<1024x2000xi1>, vector<1024x2000xf32>
    %get3A_101 = arith.constant 0 : index
    %get3A_102 = arith.constant 0 : index
    %get3A_103 = vector.load %arg4[%get3A_101, %get3A_102] : memref<1024x8xf32, #tpu.memory_space<vmem>>, vector<1024x1xf32>
    %get3A_104 = arith.constant 0 : index
    %get3A_105 = arith.constant 1 : index
    %get3A_106 = vector.load %arg4[%get3A_104, %get3A_105] : memref<1024x8xf32, #tpu.memory_space<vmem>>, vector<1024x1xf32>
    %get3A_107 = arith.constant 0 : index
    %get3A_108 = arith.constant 2 : index
    %get3A_109 = vector.load %arg4[%get3A_107, %get3A_108] : memref<1024x8xf32, #tpu.memory_space<vmem>>, vector<1024x1xf32>
    %get3A_110 = arith.constant 0 : index
    %get3A_111 = arith.constant 0 : index
    %get3A_112 = vector.load %arg5[%get3A_110, %get3A_111] : memref<1024x8xf32, #tpu.memory_space<vmem>>, vector<1024x1xf32>
    %get3A_113 = arith.constant 0 : index
    %get3A_114 = arith.constant 1 : index
    %get3A_115 = vector.load %arg5[%get3A_113, %get3A_114] : memref<1024x8xf32, #tpu.memory_space<vmem>>, vector<1024x1xf32>
    %get3A_116 = arith.constant 0 : index
    %get3A_117 = arith.constant 2 : index
    %get3A_118 = vector.load %arg5[%get3A_116, %get3A_117] : memref<1024x8xf32, #tpu.memory_space<vmem>>, vector<1024x1xf32>
    %gt3A_119 = arith.cmpf ogt, %broadcast_in_dim3A_87, %get3A_103 : vector<1024x1xf32>
    %gt3A_120 = arith.cmpf ogt, %broadcast_in_dim3A_87, %get3A_106 : vector<1024x1xf32>
    %gt3A_121 = arith.cmpf ogt, %broadcast_in_dim3A_87, %get3A_109 : vector<1024x1xf32>
    %select_n3A_122 = arith.select %gt3A_119, %broadcast_in_dim3A_87, %get3A_103 : vector<1024x1xi1>, vector<1024x1xf32>
    %swap3A_123 = arith.constant 0 : index
    %swap3A_124 = arith.constant 0 : index
    %swap3A_125 = vector.load %arg4[%swap3A_123, %swap3A_124] : memref<1024x8xf32, #tpu.memory_space<vmem>>, vector<1024x1xf32>
    tpu.vector_store %arg4[%swap3A_123, %swap3A_124], %select_n3A_122 {strides = array<i32>} : memref<1024x8xf32, #tpu.memory_space<vmem>>, vector<1024x1xf32>,
    %select_n3A_126 = arith.select %gt3A_120, %broadcast_in_dim3A_87, %get3A_106 : vector<1024x1xi1>, vector<1024x1xf32>
    %select_n3A_127 = arith.select %gt3A_119, %get3A_103, %select_n3A_126 : vector<1024x1xi1>, vector<1024x1xf32>
    %swap3A_128 = arith.constant 0 : index
    %swap3A_129 = arith.constant 1 : index
    %swap3A_130 = vector.load %arg4[%swap3A_128, %swap3A_129] : memref<1024x8xf32, #tpu.memory_space<vmem>>, vector<1024x1xf32>
    tpu.vector_store %arg4[%swap3A_128, %swap3A_129], %select_n3A_127 {strides = array<i32>} : memref<1024x8xf32, #tpu.memory_space<vmem>>, vector<1024x1xf32>,
    %select_n3A_131 = arith.select %gt3A_121, %broadcast_in_dim3A_87, %get3A_109 : vector<1024x1xi1>, vector<1024x1xf32>
    %select_n3A_132 = arith.select %gt3A_120, %get3A_106, %select_n3A_131 : vector<1024x1xi1>, vector<1024x1xf32>
    %swap3A_133 = arith.constant 0 : index
    %swap3A_134 = arith.constant 2 : index
    %swap3A_135 = vector.load %arg4[%swap3A_133, %swap3A_134] : memref<1024x8xf32, #tpu.memory_space<vmem>>, vector<1024x1xf32>
    tpu.vector_store %arg4[%swap3A_133, %swap3A_134], %select_n3A_132 {strides = array<i32>} : memref<1024x8xf32, #tpu.memory_space<vmem>>, vector<1024x1xf32>,
    %select_n3A_136 = arith.select %gt3A_119, %broadcast_in_dim3A_95, %get3A_112 : vector<1024x1xi1>, vector<1024x1xf32>
    %swap3A_137 = arith.constant 0 : index
    %swap3A_138 = arith.constant 0 : index
    %swap3A_139 = vector.load %arg5[%swap3A_137, %swap3A_138] : memref<1024x8xf32, #tpu.memory_space<vmem>>, vector<1024x1xf32>
    tpu.vector_store %arg5[%swap3A_137, %swap3A_138], %select_n3A_136 {strides = array<i32>} : memref<1024x8xf32, #tpu.memory_space<vmem>>, vector<1024x1xf32>,
    %select_n3A_140 = arith.select %gt3A_120, %broadcast_in_dim3A_95, %get3A_115 : vector<1024x1xi1>, vector<1024x1xf32>
    %select_n3A_141 = arith.select %gt3A_119, %get3A_112, %select_n3A_140 : vector<1024x1xi1>, vector<1024x1xf32>
    %swap3A_142 = arith.constant 0 : index
    %swap3A_143 = arith.constant 1 : index
    %swap3A_144 = vector.load %arg5[%swap3A_142, %swap3A_143] : memref<1024x8xf32, #tpu.memory_space<vmem>>, vector<1024x1xf32>
    tpu.vector_store %arg5[%swap3A_142, %swap3A_143], %select_n3A_141 {strides = array<i32>} : memref<1024x8xf32, #tpu.memory_space<vmem>>, vector<1024x1xf32>,
    %select_n3A_145 = arith.select %gt3A_121, %broadcast_in_dim3A_95, %get3A_118 : vector<1024x1xi1>, vector<1024x1xf32>
    %select_n3A_146 = arith.select %gt3A_120, %get3A_115, %select_n3A_145 : vector<1024x1xi1>, vector<1024x1xf32>
    %swap3A_147 = arith.constant 0 : index
    %swap3A_148 = arith.constant 2 : index
    %swap3A_149 = vector.load %arg5[%swap3A_147, %swap3A_148] : memref<1024x8xf32, #tpu.memory_space<vmem>>, vector<1024x1xf32>
    tpu.vector_store %arg5[%swap3A_147, %swap3A_148], %select_n3A_146 {strides = array<i32>} : memref<1024x8xf32, #tpu.memory_space<vmem>>, vector<1024x1xf32>,
    %reduce_max3A_150 = arith.constant dense<0xFF800000> : vector<1024xf32>
    %reduce_max3A_151 = vector.multi_reduction <maximumf>, %select_n3A_100, %reduce_max3A_150 [1] : vector<1024x2000xf32> to vector<1024xf32>
    %broadcast_in_dim3A_152 = vector.shape_cast %reduce_max3A_151 : vector<1024xf32> to vector<1024x1xf32>
    %eq3A_153 = vector.broadcast %broadcast_in_dim3A_152 : vector<1024x1xf32> to vector<1024x2000xf32>
    %eq3A_154 = arith.cmpf oeq, %select_n3A_100, %eq3A_153 : vector<1024x2000xf32>
    %jit3A_155 = arith.constant 3.000000e+38 : f32
    %broadcast_in_dim3A_156 = vector.broadcast %jit3A_155 : f32 to vector<1024x2000xf32>
    %select_n3A_157 = arith.select %eq3A_154, %add3A_25, %broadcast_in_dim3A_156 : vector<1024x2000xi1>, vector<1024x2000xf32>
    %reduce_min3A_158 = arith.constant dense<0x7F800000> : vector<1024xf32>
    %reduce_min3A_159 = vector.multi_reduction <minimumf>, %select_n3A_157, %reduce_min3A_158 [1] : vector<1024x2000xf32> to vector<1024xf32>
    %broadcast_in_dim3A_160 = vector.shape_cast %reduce_min3A_159 : vector<1024xf32> to vector<1024x1xf32>
    %get3A_161 = arith.constant 0 : index
    %get3A_162 = arith.constant 0 : index
    %get3A_163 = vector.load %arg4[%get3A_161, %get3A_162] : memref<1024x8xf32, #tpu.memory_space<vmem>>, vector<1024x1xf32>
    %get3A_164 = arith.constant 0 : index
    %get3A_165 = arith.constant 1 : index
    %get3A_166 = vector.load %arg4[%get3A_164, %get3A_165] : memref<1024x8xf32, #tpu.memory_space<vmem>>, vector<1024x1xf32>
    %get3A_167 = arith.constant 0 : index
    %get3A_168 = arith.constant 2 : index
    %get3A_169 = vector.load %arg4[%get3A_167, %get3A_168] : memref<1024x8xf32, #tpu.memory_space<vmem>>, vector<1024x1xf32>
    %get3A_170 = arith.constant 0 : index
    %get3A_171 = arith.constant 0 : index
    %get3A_172 = vector.load %arg5[%get3A_170, %get3A_171] : memref<1024x8xf32, #tpu.memory_space<vmem>>, vector<1024x1xf32>
    %get3A_173 = arith.constant 0 : index
    %get3A_174 = arith.constant 1 : index
    %get3A_175 = vector.load %arg5[%get3A_173, %get3A_174] : memref<1024x8xf32, #tpu.memory_space<vmem>>, vector<1024x1xf32>
    %get3A_176 = arith.constant 0 : index
    %get3A_177 = arith.constant 2 : index
    %get3A_178 = vector.load %arg5[%get3A_176, %get3A_177] : memref<1024x8xf32, #tpu.memory_space<vmem>>, vector<1024x1xf32>
    %gt3A_179 = arith.cmpf ogt, %broadcast_in_dim3A_152, %get3A_163 : vector<1024x1xf32>
    %gt3A_180 = arith.cmpf ogt, %broadcast_in_dim3A_152, %get3A_166 : vector<1024x1xf32>
    %gt3A_181 = arith.cmpf ogt, %broadcast_in_dim3A_152, %get3A_169 : vector<1024x1xf32>
    %select_n3A_182 = arith.select %gt3A_179, %broadcast_in_dim3A_152, %get3A_163 : vector<1024x1xi1>, vector<1024x1xf32>
    %swap3A_183 = arith.constant 0 : index
    %swap3A_184 = arith.constant 0 : index
    %swap3A_185 = vector.load %arg4[%swap3A_183, %swap3A_184] : memref<1024x8xf32, #tpu.memory_space<vmem>>, vector<1024x1xf32>
    tpu.vector_store %arg4[%swap3A_183, %swap3A_184], %select_n3A_182 {strides = array<i32>} : memref<1024x8xf32, #tpu.memory_space<vmem>>, vector<1024x1xf32>,
    %select_n3A_186 = arith.select %gt3A_180, %broadcast_in_dim3A_152, %get3A_166 : vector<1024x1xi1>, vector<1024x1xf32>
    %select_n3A_187 = arith.select %gt3A_179, %get3A_163, %select_n3A_186 : vector<1024x1xi1>, vector<1024x1xf32>
    %swap3A_188 = arith.constant 0 : index
    %swap3A_189 = arith.constant 1 : index
    %swap3A_190 = vector.load %arg4[%swap3A_188, %swap3A_189] : memref<1024x8xf32, #tpu.memory_space<vmem>>, vector<1024x1xf32>
    tpu.vector_store %arg4[%swap3A_188, %swap3A_189], %select_n3A_187 {strides = array<i32>} : memref<1024x8xf32, #tpu.memory_space<vmem>>, vector<1024x1xf32>,
    %select_n3A_191 = arith.select %gt3A_181, %broadcast_in_dim3A_152, %get3A_169 : vector<1024x1xi1>, vector<1024x1xf32>
    %select_n3A_192 = arith.select %gt3A_180, %get3A_166, %select_n3A_191 : vector<1024x1xi1>, vector<1024x1xf32>
    %swap3A_193 = arith.constant 0 : index
    %swap3A_194 = arith.constant 2 : index
    %swap3A_195 = vector.load %arg4[%swap3A_193, %swap3A_194] : memref<1024x8xf32, #tpu.memory_space<vmem>>, vector<1024x1xf32>
    tpu.vector_store %arg4[%swap3A_193, %swap3A_194], %select_n3A_192 {strides = array<i32>} : memref<1024x8xf32, #tpu.memory_space<vmem>>, vector<1024x1xf32>,
    %select_n3A_196 = arith.select %gt3A_179, %broadcast_in_dim3A_160, %get3A_172 : vector<1024x1xi1>, vector<1024x1xf32>
    %swap3A_197 = arith.constant 0 : index
    %swap3A_198 = arith.constant 0 : index
    %swap3A_199 = vector.load %arg5[%swap3A_197, %swap3A_198] : memref<1024x8xf32, #tpu.memory_space<vmem>>, vector<1024x1xf32>
    tpu.vector_store %arg5[%swap3A_197, %swap3A_198], %select_n3A_196 {strides = array<i32>} : memref<1024x8xf32, #tpu.memory_space<vmem>>, vector<1024x1xf32>,
    %select_n3A_200 = arith.select %gt3A_180, %broadcast_in_dim3A_160, %get3A_175 : vector<1024x1xi1>, vector<1024x1xf32>
    %select_n3A_201 = arith.select %gt3A_179, %get3A_172, %select_n3A_200 : vector<1024x1xi1>, vector<1024x1xf32>
    %swap3A_202 = arith.constant 0 : index
    %swap3A_203 = arith.constant 1 : index
    %swap3A_204 = vector.load %arg5[%swap3A_202, %swap3A_203] : memref<1024x8xf32, #tpu.memory_space<vmem>>, vector<1024x1xf32>
    tpu.vector_store %arg5[%swap3A_202, %swap3A_203], %select_n3A_201 {strides = array<i32>} : memref<1024x8xf32, #tpu.memory_space<vmem>>, vector<1024x1xf32>,
    %select_n3A_205 = arith.select %gt3A_181, %broadcast_in_dim3A_160, %get3A_178 : vector<1024x1xi1>, vector<1024x1xf32>
    %select_n3A_206 = arith.select %gt3A_180, %get3A_175, %select_n3A_205 : vector<1024x1xi1>, vector<1024x1xf32>
    %swap3A_207 = arith.constant 0 : index
    %swap3A_208 = arith.constant 2 : index
    %swap3A_209 = vector.load %arg5[%swap3A_207, %swap3A_208] : memref<1024x8xf32, #tpu.memory_space<vmem>>, vector<1024x1xf32>
    tpu.vector_store %arg5[%swap3A_207, %swap3A_208], %select_n3A_206 {strides = array<i32>} : memref<1024x8xf32, #tpu.memory_space<vmem>>, vector<1024x1xf32>,
    return
  }
  func.func @transform_0(%arg0: i32) -> (i32, i32) {
    %c0_i32 = arith.constant 0 : i32
    %c0_i32_0 = arith.constant 0 : i32
    %c0_i32_1 = arith.constant 0 : i32
    return %c0_i32, %c0_i32_0 : i32, i32
  }
  func.func @transform_1(%arg0: i32) -> (i32, i32) {
    %c0_i32 = arith.constant 0 : i32
    %c0_i32_0 = arith.constant 0 : i32
    return %arg0, %c0_i32 : i32, i32
  }
  func.func @transform_2(%arg0: i32) -> (i32, i32) {
    %c0_i32 = arith.constant 0 : i32
    %c0_i32_0 = arith.constant 0 : i32
    return %arg0, %c0_i32 : i32, i32
  }
  func.func @transform_3(%arg0: i32) -> (i32, i32) {
    %c0_i32 = arith.constant 0 : i32
    %c0_i32_0 = arith.constant 0 : i32
    %c0_i32_1 = arith.constant 0 : i32
    return %c0_i32, %c0_i32_0 : i32, i32
  }
  func.func @transform_4(%arg0: i32) -> (i32, i32) {
    %c0_i32 = arith.constant 0 : i32
    %c0_i32_0 = arith.constant 0 : i32
    %c0_i32_1 = arith.constant 0 : i32
    return %c0_i32, %c0_i32_0 : i32, i32
  }
  func.func @transform_5(%arg0: i32) -> (i32, i32) {
    %c0_i32 = arith.constant 0 : i32
    %c0_i32_0 = arith.constant 0 : i32
    return %arg0, %c0_i32 : i32, i32
  }
}

module attributes {stable_mosaic.version = 14 : i64} {
  func.func @_mea_body(%arg0: memref<3072x64xf32, #tpu.memory_space<vmem>>, %arg1: memref<3072x128xf32, #tpu.memory_space<vmem>>, %arg2: memref<3072x1xf32, #tpu.memory_space<vmem>>, %arg3: memref<2x64x64xf32, #tpu.memory_space<vmem>>, %arg4: memref<2x64x64xf32, #tpu.memory_space<vmem>>, %arg5: memref<2x64x64xf32, #tpu.memory_space<vmem>>, %arg6: memref<2x64x64xf32, #tpu.memory_space<vmem>>, %arg7: memref<2x1x64xf32, #tpu.memory_space<vmem>>, %arg8: memref<2x1x64xf32, #tpu.memory_space<vmem>>, %arg9: memref<2x1x64xf32, #tpu.memory_space<vmem>>, %arg10: memref<2x1x64xf32, #tpu.memory_space<vmem>>, %arg11: memref<64x64xf32, #tpu.memory_space<vmem>>, %arg12: memref<1x64xf32, #tpu.memory_space<vmem>>, %arg13: memref<64x128xf32, #tpu.memory_space<vmem>>, %arg14: memref<1x128xf32, #tpu.memory_space<vmem>>, %arg15: memref<1024x128xf32, #tpu.memory_space<vmem>>) attributes {dimension_semantics = [], scalar_prefetch = 0 : i64, scratch_operands = 0 : i64, tpu.core_type = #tpu.core_type<tc>} {
    %get3A = arith.constant 0 : index
    %get3A_0 = arith.constant 0 : index
    %get3A_1 = vector.load %arg1[%get3A, %get3A_0] : memref<3072x128xf32, #tpu.memory_space<vmem>>, vector<3072x128xf32>
    %slice3A = vector.extract_strided_slice %get3A_1 {offsets = [0, 0], sizes = [3072, 64], strides = [1, 1]} : vector<3072x128xf32> to vector<3072x64xf32>
    %slice3A_2 = vector.extract_strided_slice %get3A_1 {offsets = [0, 64], sizes = [3072, 1], strides = [1, 1]} : vector<3072x128xf32> to vector<3072x1xf32>
    %convert_element_type3A = arith.fptosi %slice3A_2 : vector<3072x1xf32> to vector<3072x1xi32>
    %get3A_3 = arith.constant 0 : index
    %get3A_4 = arith.constant 0 : index
    %get3A_5 = vector.load %arg2[%get3A_3, %get3A_4] : memref<3072x1xf32, #tpu.memory_space<vmem>>, vector<3072x1xf32>
    %iota3A = tpu.iota {dimensions = array<i32: 1>} : vector<3072x64xi32>
    %eq3A = vector.broadcast %convert_element_type3A : vector<3072x1xi32> to vector<3072x64xi32>
    %eq3A_6 = arith.cmpi eq, %iota3A, %eq3A : vector<3072x64xi32>
    %jit3A = arith.constant 1.000000e+00 : f32
    %jit3A_7 = arith.constant 0.000000e+00 : f32
    %broadcast_in_dim3A = vector.broadcast %jit3A : f32 to vector<3072x64xf32>
    %broadcast_in_dim3A_8 = vector.broadcast %jit3A_7 : f32 to vector<3072x64xf32>
    %select_n3A = arith.select %eq3A_6, %broadcast_in_dim3A, %broadcast_in_dim3A_8 : vector<3072x64xi1>, vector<3072x64xf32>
    %mul3A = vector.broadcast %get3A_5 : vector<3072x1xf32> to vector<3072x64xf32>
    %mul3A_9 = arith.mulf %select_n3A, %mul3A : vector<3072x64xf32>
    %get3A_10 = arith.constant 0 : index
    %get3A_11 = arith.constant 0 : index
    %get3A_12 = vector.load %arg0[%get3A_10, %get3A_11] : memref<3072x64xf32, #tpu.memory_space<vmem>>, vector<3072x64xf32>
    %get3A_13 = arith.constant 0 : index
    %get3A_14 = arith.constant 0 : index
    %get3A_15 = arith.constant 0 : index
    %get3A_16 = vector.load %arg3[%get3A_13, %get3A_14, %get3A_15] : memref<2x64x64xf32, #tpu.memory_space<vmem>>, vector<1x64x64xf32>
    %get3A_17 = vector.shape_cast %get3A_16 : vector<1x64x64xf32> to vector<64x64xf32>
    %get3A_18 = arith.constant 0 : index
    %get3A_19 = arith.constant 0 : index
    %get3A_20 = arith.constant 0 : index
    %get3A_21 = vector.load %arg4[%get3A_18, %get3A_19, %get3A_20] : memref<2x64x64xf32, #tpu.memory_space<vmem>>, vector<1x64x64xf32>
    %get3A_22 = vector.shape_cast %get3A_21 : vector<1x64x64xf32> to vector<64x64xf32>
    %get3A_23 = arith.constant 0 : index
    %get3A_24 = arith.constant 0 : index
    %get3A_25 = arith.constant 0 : index
    %get3A_26 = vector.load %arg5[%get3A_23, %get3A_24, %get3A_25] : memref<2x64x64xf32, #tpu.memory_space<vmem>>, vector<1x64x64xf32>
    %get3A_27 = vector.shape_cast %get3A_26 : vector<1x64x64xf32> to vector<64x64xf32>
    %get3A_28 = arith.constant 0 : index
    %get3A_29 = arith.constant 0 : index
    %get3A_30 = arith.constant 0 : index
    %get3A_31 = vector.load %arg6[%get3A_28, %get3A_29, %get3A_30] : memref<2x64x64xf32, #tpu.memory_space<vmem>>, vector<1x64x64xf32>
    %get3A_32 = vector.shape_cast %get3A_31 : vector<1x64x64xf32> to vector<64x64xf32>
    %get3A_33 = arith.constant 0 : index
    %get3A_34 = arith.constant 0 : index
    %get3A_35 = arith.constant 0 : index
    %get3A_36 = vector.load %arg7[%get3A_33, %get3A_34, %get3A_35] : memref<2x1x64xf32, #tpu.memory_space<vmem>>, vector<1x1x64xf32>
    %get3A_37 = vector.shape_cast %get3A_36 : vector<1x1x64xf32> to vector<1x64xf32>
    %get3A_38 = arith.constant 0 : index
    %get3A_39 = arith.constant 0 : index
    %get3A_40 = arith.constant 0 : index
    %get3A_41 = vector.load %arg8[%get3A_38, %get3A_39, %get3A_40] : memref<2x1x64xf32, #tpu.memory_space<vmem>>, vector<1x1x64xf32>
    %get3A_42 = vector.shape_cast %get3A_41 : vector<1x1x64xf32> to vector<1x64xf32>
    %get3A_43 = arith.constant 0 : index
    %get3A_44 = arith.constant 0 : index
    %get3A_45 = arith.constant 0 : index
    %get3A_46 = vector.load %arg9[%get3A_43, %get3A_44, %get3A_45] : memref<2x1x64xf32, #tpu.memory_space<vmem>>, vector<1x1x64xf32>
    %get3A_47 = vector.shape_cast %get3A_46 : vector<1x1x64xf32> to vector<1x64xf32>
    %get3A_48 = arith.constant 0 : index
    %get3A_49 = arith.constant 0 : index
    %get3A_50 = arith.constant 0 : index
    %get3A_51 = vector.load %arg10[%get3A_48, %get3A_49, %get3A_50] : memref<2x1x64xf32, #tpu.memory_space<vmem>>, vector<1x1x64xf32>
    %get3A_52 = vector.shape_cast %get3A_51 : vector<1x1x64xf32> to vector<1x64xf32>
    %convert_element_type3A_53 = arith.truncf %mul3A_9 : vector<3072x64xf32> to vector<3072x64xbf16>
    %convert_element_type3A_54 = arith.truncf %get3A_17 : vector<64x64xf32> to vector<64x64xbf16>
    %dot_general3A = arith.constant dense<0.000000e+00> : vector<3072x64xf32>
    %dot_general3A_55 = tpu.matmul %convert_element_type3A_53, %convert_element_type3A_54, %dot_general3A {dimension_numbers = #tpu.dot_dimension_numbers<[1], [0], [0], [1], [0, 0, 1, 1], [], []>, transpose_lhs_hint = false} : vector<3072x64xbf16>, vector<64x64xbf16>, vector<3072x64xf32> -> vector<3072x64xf32>
    %add3A = vector.broadcast %get3A_37 : vector<1x64xf32> to vector<3072x64xf32>
    %add3A_56 = arith.addf %dot_general3A_55, %add3A : vector<3072x64xf32>
    %convert_element_type3A_57 = arith.truncf %get3A_12 : vector<3072x64xf32> to vector<3072x64xbf16>
    %convert_element_type3A_58 = arith.truncf %get3A_17 : vector<64x64xf32> to vector<64x64xbf16>
    %dot_general3A_59 = arith.constant dense<0.000000e+00> : vector<3072x64xf32>
    %dot_general3A_60 = tpu.matmul %convert_element_type3A_57, %convert_element_type3A_58, %dot_general3A_59 {dimension_numbers = #tpu.dot_dimension_numbers<[1], [0], [0], [1], [0, 0, 1, 1], [], []>, transpose_lhs_hint = false} : vector<3072x64xbf16>, vector<64x64xbf16>, vector<3072x64xf32> -> vector<3072x64xf32>
    %add3A_61 = vector.broadcast %get3A_37 : vector<1x64xf32> to vector<3072x64xf32>
    %add3A_62 = arith.addf %dot_general3A_60, %add3A_61 : vector<3072x64xf32>
    %convert_element_type3A_63 = arith.truncf %slice3A : vector<3072x64xf32> to vector<3072x64xbf16>
    %convert_element_type3A_64 = arith.truncf %get3A_17 : vector<64x64xf32> to vector<64x64xbf16>
    %dot_general3A_65 = arith.constant dense<0.000000e+00> : vector<3072x64xf32>
    %dot_general3A_66 = tpu.matmul %convert_element_type3A_63, %convert_element_type3A_64, %dot_general3A_65 {dimension_numbers = #tpu.dot_dimension_numbers<[1], [0], [0], [1], [0, 0, 1, 1], [], []>, transpose_lhs_hint = false} : vector<3072x64xbf16>, vector<64x64xbf16>, vector<3072x64xf32> -> vector<3072x64xf32>
    %add3A_67 = vector.broadcast %get3A_37 : vector<1x64xf32> to vector<3072x64xf32>
    %add3A_68 = arith.addf %dot_general3A_66, %add3A_67 : vector<3072x64xf32>
    %convert_element_type3A_69 = arith.truncf %mul3A_9 : vector<3072x64xf32> to vector<3072x64xbf16>
    %convert_element_type3A_70 = arith.truncf %get3A_22 : vector<64x64xf32> to vector<64x64xbf16>
    %dot_general3A_71 = arith.constant dense<0.000000e+00> : vector<3072x64xf32>
    %dot_general3A_72 = tpu.matmul %convert_element_type3A_69, %convert_element_type3A_70, %dot_general3A_71 {dimension_numbers = #tpu.dot_dimension_numbers<[1], [0], [0], [1], [0, 0, 1, 1], [], []>, transpose_lhs_hint = false} : vector<3072x64xbf16>, vector<64x64xbf16>, vector<3072x64xf32> -> vector<3072x64xf32>
    %add3A_73 = vector.broadcast %get3A_42 : vector<1x64xf32> to vector<3072x64xf32>
    %add3A_74 = arith.addf %dot_general3A_72, %add3A_73 : vector<3072x64xf32>
    %convert_element_type3A_75 = arith.truncf %get3A_12 : vector<3072x64xf32> to vector<3072x64xbf16>
    %convert_element_type3A_76 = arith.truncf %get3A_22 : vector<64x64xf32> to vector<64x64xbf16>
    %dot_general3A_77 = arith.constant dense<0.000000e+00> : vector<3072x64xf32>
    %dot_general3A_78 = tpu.matmul %convert_element_type3A_75, %convert_element_type3A_76, %dot_general3A_77 {dimension_numbers = #tpu.dot_dimension_numbers<[1], [0], [0], [1], [0, 0, 1, 1], [], []>, transpose_lhs_hint = false} : vector<3072x64xbf16>, vector<64x64xbf16>, vector<3072x64xf32> -> vector<3072x64xf32>
    %add3A_79 = vector.broadcast %get3A_42 : vector<1x64xf32> to vector<3072x64xf32>
    %add3A_80 = arith.addf %dot_general3A_78, %add3A_79 : vector<3072x64xf32>
    %convert_element_type3A_81 = arith.truncf %slice3A : vector<3072x64xf32> to vector<3072x64xbf16>
    %convert_element_type3A_82 = arith.truncf %get3A_22 : vector<64x64xf32> to vector<64x64xbf16>
    %dot_general3A_83 = arith.constant dense<0.000000e+00> : vector<3072x64xf32>
    %dot_general3A_84 = tpu.matmul %convert_element_type3A_81, %convert_element_type3A_82, %dot_general3A_83 {dimension_numbers = #tpu.dot_dimension_numbers<[1], [0], [0], [1], [0, 0, 1, 1], [], []>, transpose_lhs_hint = false} : vector<3072x64xbf16>, vector<64x64xbf16>, vector<3072x64xf32> -> vector<3072x64xf32>
    %add3A_85 = vector.broadcast %get3A_42 : vector<1x64xf32> to vector<3072x64xf32>
    %add3A_86 = arith.addf %dot_general3A_84, %add3A_85 : vector<3072x64xf32>
    %convert_element_type3A_87 = arith.truncf %mul3A_9 : vector<3072x64xf32> to vector<3072x64xbf16>
    %convert_element_type3A_88 = arith.truncf %get3A_27 : vector<64x64xf32> to vector<64x64xbf16>
    %dot_general3A_89 = arith.constant dense<0.000000e+00> : vector<3072x64xf32>
    %dot_general3A_90 = tpu.matmul %convert_element_type3A_87, %convert_element_type3A_88, %dot_general3A_89 {dimension_numbers = #tpu.dot_dimension_numbers<[1], [0], [0], [1], [0, 0, 1, 1], [], []>, transpose_lhs_hint = false} : vector<3072x64xbf16>, vector<64x64xbf16>, vector<3072x64xf32> -> vector<3072x64xf32>
    %add3A_91 = vector.broadcast %get3A_47 : vector<1x64xf32> to vector<3072x64xf32>
    %add3A_92 = arith.addf %dot_general3A_90, %add3A_91 : vector<3072x64xf32>
    %convert_element_type3A_93 = arith.truncf %get3A_12 : vector<3072x64xf32> to vector<3072x64xbf16>
    %convert_element_type3A_94 = arith.truncf %get3A_27 : vector<64x64xf32> to vector<64x64xbf16>
    %dot_general3A_95 = arith.constant dense<0.000000e+00> : vector<3072x64xf32>
    %dot_general3A_96 = tpu.matmul %convert_element_type3A_93, %convert_element_type3A_94, %dot_general3A_95 {dimension_numbers = #tpu.dot_dimension_numbers<[1], [0], [0], [1], [0, 0, 1, 1], [], []>, transpose_lhs_hint = false} : vector<3072x64xbf16>, vector<64x64xbf16>, vector<3072x64xf32> -> vector<3072x64xf32>
    %add3A_97 = vector.broadcast %get3A_47 : vector<1x64xf32> to vector<3072x64xf32>
    %add3A_98 = arith.addf %dot_general3A_96, %add3A_97 : vector<3072x64xf32>
    %convert_element_type3A_99 = arith.truncf %slice3A : vector<3072x64xf32> to vector<3072x64xbf16>
    %convert_element_type3A_100 = arith.truncf %get3A_27 : vector<64x64xf32> to vector<64x64xbf16>
    %dot_general3A_101 = arith.constant dense<0.000000e+00> : vector<3072x64xf32>
    %dot_general3A_102 = tpu.matmul %convert_element_type3A_99, %convert_element_type3A_100, %dot_general3A_101 {dimension_numbers = #tpu.dot_dimension_numbers<[1], [0], [0], [1], [0, 0, 1, 1], [], []>, transpose_lhs_hint = false} : vector<3072x64xbf16>, vector<64x64xbf16>, vector<3072x64xf32> -> vector<3072x64xf32>
    %add3A_103 = vector.broadcast %get3A_47 : vector<1x64xf32> to vector<3072x64xf32>
    %add3A_104 = arith.addf %dot_general3A_102, %add3A_103 : vector<3072x64xf32>
    %convert_element_type3A_105 = arith.truncf %add3A_56 : vector<3072x64xf32> to vector<3072x64xbf16>
    %convert_element_type3A_106 = arith.extf %convert_element_type3A_105 : vector<3072x64xbf16> to vector<3072x64xf32>
    %convert_element_type3A_107 = arith.truncf %add3A_62 : vector<3072x64xf32> to vector<3072x64xbf16>
    %convert_element_type3A_108 = arith.extf %convert_element_type3A_107 : vector<3072x64xbf16> to vector<3072x64xf32>
    %convert_element_type3A_109 = arith.truncf %add3A_68 : vector<3072x64xf32> to vector<3072x64xbf16>
    %convert_element_type3A_110 = arith.extf %convert_element_type3A_109 : vector<3072x64xbf16> to vector<3072x64xf32>
    %convert_element_type3A_111 = arith.truncf %add3A_74 : vector<3072x64xf32> to vector<3072x64xbf16>
    %convert_element_type3A_112 = arith.extf %convert_element_type3A_111 : vector<3072x64xbf16> to vector<3072x64xf32>
    %convert_element_type3A_113 = arith.truncf %add3A_80 : vector<3072x64xf32> to vector<3072x64xbf16>
    %convert_element_type3A_114 = arith.extf %convert_element_type3A_113 : vector<3072x64xbf16> to vector<3072x64xf32>
    %convert_element_type3A_115 = arith.truncf %add3A_86 : vector<3072x64xf32> to vector<3072x64xbf16>
    %convert_element_type3A_116 = arith.extf %convert_element_type3A_115 : vector<3072x64xbf16> to vector<3072x64xf32>
    %convert_element_type3A_117 = arith.truncf %add3A_92 : vector<3072x64xf32> to vector<3072x64xbf16>
    %convert_element_type3A_118 = arith.extf %convert_element_type3A_117 : vector<3072x64xbf16> to vector<3072x64xf32>
    %convert_element_type3A_119 = arith.truncf %add3A_98 : vector<3072x64xf32> to vector<3072x64xbf16>
    %convert_element_type3A_120 = arith.extf %convert_element_type3A_119 : vector<3072x64xbf16> to vector<3072x64xf32>
    %convert_element_type3A_121 = arith.truncf %add3A_104 : vector<3072x64xf32> to vector<3072x64xbf16>
    %convert_element_type3A_122 = arith.extf %convert_element_type3A_121 : vector<3072x64xbf16> to vector<3072x64xf32>
    %mul3A_123 = arith.mulf %convert_element_type3A_106, %convert_element_type3A_112 : vector<3072x64xf32>
    %reduce_sum3A = arith.constant dense<0.000000e+00> : vector<3072xf32>
    %reduce_sum3A_124 = vector.multi_reduction <add>, %mul3A_123, %reduce_sum3A [1] : vector<3072x64xf32> to vector<3072xf32>
    %broadcast_in_dim3A_125 = vector.shape_cast %reduce_sum3A_124 : vector<3072xf32> to vector<3072x1xf32>
    %mul3A_126 = arith.constant 2.500000e-01 : f32
    %mul3A_127 = vector.broadcast %mul3A_126 : f32 to vector<3072x1xf32>
    %mul3A_128 = arith.mulf %broadcast_in_dim3A_125, %mul3A_127 : vector<3072x1xf32>
    %mul3A_129 = arith.mulf %convert_element_type3A_106, %convert_element_type3A_114 : vector<3072x64xf32>
    %reduce_sum3A_130 = arith.constant dense<0.000000e+00> : vector<3072xf32>
    %reduce_sum3A_131 = vector.multi_reduction <add>, %mul3A_129, %reduce_sum3A_130 [1] : vector<3072x64xf32> to vector<3072xf32>
    %broadcast_in_dim3A_132 = vector.shape_cast %reduce_sum3A_131 : vector<3072xf32> to vector<3072x1xf32>
    %mul3A_133 = arith.constant 2.500000e-01 : f32
    %mul3A_134 = vector.broadcast %mul3A_133 : f32 to vector<3072x1xf32>
    %mul3A_135 = arith.mulf %broadcast_in_dim3A_132, %mul3A_134 : vector<3072x1xf32>
    %mul3A_136 = arith.mulf %convert_element_type3A_106, %convert_element_type3A_116 : vector<3072x64xf32>
    %reduce_sum3A_137 = arith.constant dense<0.000000e+00> : vector<3072xf32>
    %reduce_sum3A_138 = vector.multi_reduction <add>, %mul3A_136, %reduce_sum3A_137 [1] : vector<3072x64xf32> to vector<3072xf32>
    %broadcast_in_dim3A_139 = vector.shape_cast %reduce_sum3A_138 : vector<3072xf32> to vector<3072x1xf32>
    %mul3A_140 = arith.constant 2.500000e-01 : f32
    %mul3A_141 = vector.broadcast %mul3A_140 : f32 to vector<3072x1xf32>
    %mul3A_142 = arith.mulf %broadcast_in_dim3A_139, %mul3A_141 : vector<3072x1xf32>
    %max3A = arith.maximumf %mul3A_128, %mul3A_135 : vector<3072x1xf32>
    %max3A_143 = arith.maximumf %max3A, %mul3A_142 : vector<3072x1xf32>
    %sub3A = arith.subf %mul3A_128, %max3A_143 : vector<3072x1xf32>
    %exp3A = math.exp %sub3A : vector<3072x1xf32>
    %sub3A_144 = arith.subf %mul3A_135, %max3A_143 : vector<3072x1xf32>
    %exp3A_145 = math.exp %sub3A_144 : vector<3072x1xf32>
    %sub3A_146 = arith.subf %mul3A_142, %max3A_143 : vector<3072x1xf32>
    %exp3A_147 = math.exp %sub3A_146 : vector<3072x1xf32>
    %add3A_148 = arith.addf %exp3A, %exp3A_145 : vector<3072x1xf32>
    %add3A_149 = arith.addf %add3A_148, %exp3A_147 : vector<3072x1xf32>
    %div3A = arith.divf %exp3A, %add3A_149 : vector<3072x1xf32>
    %convert_element_type3A_150 = arith.truncf %div3A : vector<3072x1xf32> to vector<3072x1xbf16>
    %convert_element_type3A_151 = arith.extf %convert_element_type3A_150 : vector<3072x1xbf16> to vector<3072x1xf32>
    %div3A_152 = arith.divf %exp3A_145, %add3A_149 : vector<3072x1xf32>
    %convert_element_type3A_153 = arith.truncf %div3A_152 : vector<3072x1xf32> to vector<3072x1xbf16>
    %convert_element_type3A_154 = arith.extf %convert_element_type3A_153 : vector<3072x1xbf16> to vector<3072x1xf32>
    %div3A_155 = arith.divf %exp3A_147, %add3A_149 : vector<3072x1xf32>
    %convert_element_type3A_156 = arith.truncf %div3A_155 : vector<3072x1xf32> to vector<3072x1xbf16>
    %convert_element_type3A_157 = arith.extf %convert_element_type3A_156 : vector<3072x1xbf16> to vector<3072x1xf32>
    %mul3A_158 = vector.broadcast %convert_element_type3A_151 : vector<3072x1xf32> to vector<3072x64xf32>
    %mul3A_159 = arith.mulf %mul3A_158, %convert_element_type3A_118 : vector<3072x64xf32>
    %mul3A_160 = vector.broadcast %convert_element_type3A_154 : vector<3072x1xf32> to vector<3072x64xf32>
    %mul3A_161 = arith.mulf %mul3A_160, %convert_element_type3A_120 : vector<3072x64xf32>
    %add3A_162 = arith.addf %mul3A_159, %mul3A_161 : vector<3072x64xf32>
    %mul3A_163 = vector.broadcast %convert_element_type3A_157 : vector<3072x1xf32> to vector<3072x64xf32>
    %mul3A_164 = arith.mulf %mul3A_163, %convert_element_type3A_122 : vector<3072x64xf32>
    %add3A_165 = arith.addf %add3A_162, %mul3A_164 : vector<3072x64xf32>
    %convert_element_type3A_166 = arith.truncf %add3A_165 : vector<3072x64xf32> to vector<3072x64xbf16>
    %convert_element_type3A_167 = arith.truncf %get3A_32 : vector<64x64xf32> to vector<64x64xbf16>
    %dot_general3A_168 = arith.constant dense<0.000000e+00> : vector<3072x64xf32>
    %dot_general3A_169 = tpu.matmul %convert_element_type3A_166, %convert_element_type3A_167, %dot_general3A_168 {dimension_numbers = #tpu.dot_dimension_numbers<[1], [0], [0], [1], [0, 0, 1, 1], [], []>, transpose_lhs_hint = false} : vector<3072x64xbf16>, vector<64x64xbf16>, vector<3072x64xf32> -> vector<3072x64xf32>
    %add3A_170 = vector.broadcast %get3A_52 : vector<1x64xf32> to vector<3072x64xf32>
    %add3A_171 = arith.addf %dot_general3A_169, %add3A_170 : vector<3072x64xf32>
    %mul3A_172 = arith.mulf %convert_element_type3A_108, %convert_element_type3A_112 : vector<3072x64xf32>
    %reduce_sum3A_173 = arith.constant dense<0.000000e+00> : vector<3072xf32>
    %reduce_sum3A_174 = vector.multi_reduction <add>, %mul3A_172, %reduce_sum3A_173 [1] : vector<3072x64xf32> to vector<3072xf32>
    %broadcast_in_dim3A_175 = vector.shape_cast %reduce_sum3A_174 : vector<3072xf32> to vector<3072x1xf32>
    %mul3A_176 = arith.constant 2.500000e-01 : f32
    %mul3A_177 = vector.broadcast %mul3A_176 : f32 to vector<3072x1xf32>
    %mul3A_178 = arith.mulf %broadcast_in_dim3A_175, %mul3A_177 : vector<3072x1xf32>
    %mul3A_179 = arith.mulf %convert_element_type3A_108, %convert_element_type3A_114 : vector<3072x64xf32>
    %reduce_sum3A_180 = arith.constant dense<0.000000e+00> : vector<3072xf32>
    %reduce_sum3A_181 = vector.multi_reduction <add>, %mul3A_179, %reduce_sum3A_180 [1] : vector<3072x64xf32> to vector<3072xf32>
    %broadcast_in_dim3A_182 = vector.shape_cast %reduce_sum3A_181 : vector<3072xf32> to vector<3072x1xf32>
    %mul3A_183 = arith.constant 2.500000e-01 : f32
    %mul3A_184 = vector.broadcast %mul3A_183 : f32 to vector<3072x1xf32>
    %mul3A_185 = arith.mulf %broadcast_in_dim3A_182, %mul3A_184 : vector<3072x1xf32>
    %mul3A_186 = arith.mulf %convert_element_type3A_108, %convert_element_type3A_116 : vector<3072x64xf32>
    %reduce_sum3A_187 = arith.constant dense<0.000000e+00> : vector<3072xf32>
    %reduce_sum3A_188 = vector.multi_reduction <add>, %mul3A_186, %reduce_sum3A_187 [1] : vector<3072x64xf32> to vector<3072xf32>
    %broadcast_in_dim3A_189 = vector.shape_cast %reduce_sum3A_188 : vector<3072xf32> to vector<3072x1xf32>
    %mul3A_190 = arith.constant 2.500000e-01 : f32
    %mul3A_191 = vector.broadcast %mul3A_190 : f32 to vector<3072x1xf32>
    %mul3A_192 = arith.mulf %broadcast_in_dim3A_189, %mul3A_191 : vector<3072x1xf32>
    %max3A_193 = arith.maximumf %mul3A_178, %mul3A_185 : vector<3072x1xf32>
    %max3A_194 = arith.maximumf %max3A_193, %mul3A_192 : vector<3072x1xf32>
    %sub3A_195 = arith.subf %mul3A_178, %max3A_194 : vector<3072x1xf32>
    %exp3A_196 = math.exp %sub3A_195 : vector<3072x1xf32>
    %sub3A_197 = arith.subf %mul3A_185, %max3A_194 : vector<3072x1xf32>
    %exp3A_198 = math.exp %sub3A_197 : vector<3072x1xf32>
    %sub3A_199 = arith.subf %mul3A_192, %max3A_194 : vector<3072x1xf32>
    %exp3A_200 = math.exp %sub3A_199 : vector<3072x1xf32>
    %add3A_201 = arith.addf %exp3A_196, %exp3A_198 : vector<3072x1xf32>
    %add3A_202 = arith.addf %add3A_201, %exp3A_200 : vector<3072x1xf32>
    %div3A_203 = arith.divf %exp3A_196, %add3A_202 : vector<3072x1xf32>
    %convert_element_type3A_204 = arith.truncf %div3A_203 : vector<3072x1xf32> to vector<3072x1xbf16>
    %convert_element_type3A_205 = arith.extf %convert_element_type3A_204 : vector<3072x1xbf16> to vector<3072x1xf32>
    %div3A_206 = arith.divf %exp3A_198, %add3A_202 : vector<3072x1xf32>
    %convert_element_type3A_207 = arith.truncf %div3A_206 : vector<3072x1xf32> to vector<3072x1xbf16>
    %convert_element_type3A_208 = arith.extf %convert_element_type3A_207 : vector<3072x1xbf16> to vector<3072x1xf32>
    %div3A_209 = arith.divf %exp3A_200, %add3A_202 : vector<3072x1xf32>
    %convert_element_type3A_210 = arith.truncf %div3A_209 : vector<3072x1xf32> to vector<3072x1xbf16>
    %convert_element_type3A_211 = arith.extf %convert_element_type3A_210 : vector<3072x1xbf16> to vector<3072x1xf32>
    %mul3A_212 = vector.broadcast %convert_element_type3A_205 : vector<3072x1xf32> to vector<3072x64xf32>
    %mul3A_213 = arith.mulf %mul3A_212, %convert_element_type3A_118 : vector<3072x64xf32>
    %mul3A_214 = vector.broadcast %convert_element_type3A_208 : vector<3072x1xf32> to vector<3072x64xf32>
    %mul3A_215 = arith.mulf %mul3A_214, %convert_element_type3A_120 : vector<3072x64xf32>
    %add3A_216 = arith.addf %mul3A_213, %mul3A_215 : vector<3072x64xf32>
    %mul3A_217 = vector.broadcast %convert_element_type3A_211 : vector<3072x1xf32> to vector<3072x64xf32>
    %mul3A_218 = arith.mulf %mul3A_217, %convert_element_type3A_122 : vector<3072x64xf32>
    %add3A_219 = arith.addf %add3A_216, %mul3A_218 : vector<3072x64xf32>
    %convert_element_type3A_220 = arith.truncf %add3A_219 : vector<3072x64xf32> to vector<3072x64xbf16>
    %convert_element_type3A_221 = arith.truncf %get3A_32 : vector<64x64xf32> to vector<64x64xbf16>
    %dot_general3A_222 = arith.constant dense<0.000000e+00> : vector<3072x64xf32>
    %dot_general3A_223 = tpu.matmul %convert_element_type3A_220, %convert_element_type3A_221, %dot_general3A_222 {dimension_numbers = #tpu.dot_dimension_numbers<[1], [0], [0], [1], [0, 0, 1, 1], [], []>, transpose_lhs_hint = false} : vector<3072x64xbf16>, vector<64x64xbf16>, vector<3072x64xf32> -> vector<3072x64xf32>
    %add3A_224 = vector.broadcast %get3A_52 : vector<1x64xf32> to vector<3072x64xf32>
    %add3A_225 = arith.addf %dot_general3A_223, %add3A_224 : vector<3072x64xf32>
    %mul3A_226 = arith.mulf %convert_element_type3A_110, %convert_element_type3A_112 : vector<3072x64xf32>
    %reduce_sum3A_227 = arith.constant dense<0.000000e+00> : vector<3072xf32>
    %reduce_sum3A_228 = vector.multi_reduction <add>, %mul3A_226, %reduce_sum3A_227 [1] : vector<3072x64xf32> to vector<3072xf32>
    %broadcast_in_dim3A_229 = vector.shape_cast %reduce_sum3A_228 : vector<3072xf32> to vector<3072x1xf32>
    %mul3A_230 = arith.constant 2.500000e-01 : f32
    %mul3A_231 = vector.broadcast %mul3A_230 : f32 to vector<3072x1xf32>
    %mul3A_232 = arith.mulf %broadcast_in_dim3A_229, %mul3A_231 : vector<3072x1xf32>
    %mul3A_233 = arith.mulf %convert_element_type3A_110, %convert_element_type3A_114 : vector<3072x64xf32>
    %reduce_sum3A_234 = arith.constant dense<0.000000e+00> : vector<3072xf32>
    %reduce_sum3A_235 = vector.multi_reduction <add>, %mul3A_233, %reduce_sum3A_234 [1] : vector<3072x64xf32> to vector<3072xf32>
    %broadcast_in_dim3A_236 = vector.shape_cast %reduce_sum3A_235 : vector<3072xf32> to vector<3072x1xf32>
    %mul3A_237 = arith.constant 2.500000e-01 : f32
    %mul3A_238 = vector.broadcast %mul3A_237 : f32 to vector<3072x1xf32>
    %mul3A_239 = arith.mulf %broadcast_in_dim3A_236, %mul3A_238 : vector<3072x1xf32>
    %mul3A_240 = arith.mulf %convert_element_type3A_110, %convert_element_type3A_116 : vector<3072x64xf32>
    %reduce_sum3A_241 = arith.constant dense<0.000000e+00> : vector<3072xf32>
    %reduce_sum3A_242 = vector.multi_reduction <add>, %mul3A_240, %reduce_sum3A_241 [1] : vector<3072x64xf32> to vector<3072xf32>
    %broadcast_in_dim3A_243 = vector.shape_cast %reduce_sum3A_242 : vector<3072xf32> to vector<3072x1xf32>
    %mul3A_244 = arith.constant 2.500000e-01 : f32
    %mul3A_245 = vector.broadcast %mul3A_244 : f32 to vector<3072x1xf32>
    %mul3A_246 = arith.mulf %broadcast_in_dim3A_243, %mul3A_245 : vector<3072x1xf32>
    %max3A_247 = arith.maximumf %mul3A_232, %mul3A_239 : vector<3072x1xf32>
    %max3A_248 = arith.maximumf %max3A_247, %mul3A_246 : vector<3072x1xf32>
    %sub3A_249 = arith.subf %mul3A_232, %max3A_248 : vector<3072x1xf32>
    %exp3A_250 = math.exp %sub3A_249 : vector<3072x1xf32>
    %sub3A_251 = arith.subf %mul3A_239, %max3A_248 : vector<3072x1xf32>
    %exp3A_252 = math.exp %sub3A_251 : vector<3072x1xf32>
    %sub3A_253 = arith.subf %mul3A_246, %max3A_248 : vector<3072x1xf32>
    %exp3A_254 = math.exp %sub3A_253 : vector<3072x1xf32>
    %add3A_255 = arith.addf %exp3A_250, %exp3A_252 : vector<3072x1xf32>
    %add3A_256 = arith.addf %add3A_255, %exp3A_254 : vector<3072x1xf32>
    %div3A_257 = arith.divf %exp3A_250, %add3A_256 : vector<3072x1xf32>
    %convert_element_type3A_258 = arith.truncf %div3A_257 : vector<3072x1xf32> to vector<3072x1xbf16>
    %convert_element_type3A_259 = arith.extf %convert_element_type3A_258 : vector<3072x1xbf16> to vector<3072x1xf32>
    %div3A_260 = arith.divf %exp3A_252, %add3A_256 : vector<3072x1xf32>
    %convert_element_type3A_261 = arith.truncf %div3A_260 : vector<3072x1xf32> to vector<3072x1xbf16>
    %convert_element_type3A_262 = arith.extf %convert_element_type3A_261 : vector<3072x1xbf16> to vector<3072x1xf32>
    %div3A_263 = arith.divf %exp3A_254, %add3A_256 : vector<3072x1xf32>
    %convert_element_type3A_264 = arith.truncf %div3A_263 : vector<3072x1xf32> to vector<3072x1xbf16>
    %convert_element_type3A_265 = arith.extf %convert_element_type3A_264 : vector<3072x1xbf16> to vector<3072x1xf32>
    %mul3A_266 = vector.broadcast %convert_element_type3A_259 : vector<3072x1xf32> to vector<3072x64xf32>
    %mul3A_267 = arith.mulf %mul3A_266, %convert_element_type3A_118 : vector<3072x64xf32>
    %mul3A_268 = vector.broadcast %convert_element_type3A_262 : vector<3072x1xf32> to vector<3072x64xf32>
    %mul3A_269 = arith.mulf %mul3A_268, %convert_element_type3A_120 : vector<3072x64xf32>
    %add3A_270 = arith.addf %mul3A_267, %mul3A_269 : vector<3072x64xf32>
    %mul3A_271 = vector.broadcast %convert_element_type3A_265 : vector<3072x1xf32> to vector<3072x64xf32>
    %mul3A_272 = arith.mulf %mul3A_271, %convert_element_type3A_122 : vector<3072x64xf32>
    %add3A_273 = arith.addf %add3A_270, %mul3A_272 : vector<3072x64xf32>
    %convert_element_type3A_274 = arith.truncf %add3A_273 : vector<3072x64xf32> to vector<3072x64xbf16>
    %convert_element_type3A_275 = arith.truncf %get3A_32 : vector<64x64xf32> to vector<64x64xbf16>
    %dot_general3A_276 = arith.constant dense<0.000000e+00> : vector<3072x64xf32>
    %dot_general3A_277 = tpu.matmul %convert_element_type3A_274, %convert_element_type3A_275, %dot_general3A_276 {dimension_numbers = #tpu.dot_dimension_numbers<[1], [0], [0], [1], [0, 0, 1, 1], [], []>, transpose_lhs_hint = false} : vector<3072x64xbf16>, vector<64x64xbf16>, vector<3072x64xf32> -> vector<3072x64xf32>
    %add3A_278 = vector.broadcast %get3A_52 : vector<1x64xf32> to vector<3072x64xf32>
    %add3A_279 = arith.addf %dot_general3A_277, %add3A_278 : vector<3072x64xf32>
    %get3A_280 = arith.constant 1 : index
    %get3A_281 = arith.constant 0 : index
    %get3A_282 = arith.constant 0 : index
    %get3A_283 = vector.load %arg3[%get3A_280, %get3A_281, %get3A_282] : memref<2x64x64xf32, #tpu.memory_space<vmem>>, vector<1x64x64xf32>
    %get3A_284 = vector.shape_cast %get3A_283 : vector<1x64x64xf32> to vector<64x64xf32>
    %get3A_285 = arith.constant 1 : index
    %get3A_286 = arith.constant 0 : index
    %get3A_287 = arith.constant 0 : index
    %get3A_288 = vector.load %arg4[%get3A_285, %get3A_286, %get3A_287] : memref<2x64x64xf32, #tpu.memory_space<vmem>>, vector<1x64x64xf32>
    %get3A_289 = vector.shape_cast %get3A_288 : vector<1x64x64xf32> to vector<64x64xf32>
    %get3A_290 = arith.constant 1 : index
    %get3A_291 = arith.constant 0 : index
    %get3A_292 = arith.constant 0 : index
    %get3A_293 = vector.load %arg5[%get3A_290, %get3A_291, %get3A_292] : memref<2x64x64xf32, #tpu.memory_space<vmem>>, vector<1x64x64xf32>
    %get3A_294 = vector.shape_cast %get3A_293 : vector<1x64x64xf32> to vector<64x64xf32>
    %get3A_295 = arith.constant 1 : index
    %get3A_296 = arith.constant 0 : index
    %get3A_297 = arith.constant 0 : index
    %get3A_298 = vector.load %arg6[%get3A_295, %get3A_296, %get3A_297] : memref<2x64x64xf32, #tpu.memory_space<vmem>>, vector<1x64x64xf32>
    %get3A_299 = vector.shape_cast %get3A_298 : vector<1x64x64xf32> to vector<64x64xf32>
    %get3A_300 = arith.constant 1 : index
    %get3A_301 = arith.constant 0 : index
    %get3A_302 = arith.constant 0 : index
    %get3A_303 = vector.load %arg7[%get3A_300, %get3A_301, %get3A_302] : memref<2x1x64xf32, #tpu.memory_space<vmem>>, vector<1x1x64xf32>
    %get3A_304 = vector.shape_cast %get3A_303 : vector<1x1x64xf32> to vector<1x64xf32>
    %get3A_305 = arith.constant 1 : index
    %get3A_306 = arith.constant 0 : index
    %get3A_307 = arith.constant 0 : index
    %get3A_308 = vector.load %arg8[%get3A_305, %get3A_306, %get3A_307] : memref<2x1x64xf32, #tpu.memory_space<vmem>>, vector<1x1x64xf32>
    %get3A_309 = vector.shape_cast %get3A_308 : vector<1x1x64xf32> to vector<1x64xf32>
    %get3A_310 = arith.constant 1 : index
    %get3A_311 = arith.constant 0 : index
    %get3A_312 = arith.constant 0 : index
    %get3A_313 = vector.load %arg9[%get3A_310, %get3A_311, %get3A_312] : memref<2x1x64xf32, #tpu.memory_space<vmem>>, vector<1x1x64xf32>
    %get3A_314 = vector.shape_cast %get3A_313 : vector<1x1x64xf32> to vector<1x64xf32>
    %get3A_315 = arith.constant 1 : index
    %get3A_316 = arith.constant 0 : index
    %get3A_317 = arith.constant 0 : index
    %get3A_318 = vector.load %arg10[%get3A_315, %get3A_316, %get3A_317] : memref<2x1x64xf32, #tpu.memory_space<vmem>>, vector<1x1x64xf32>
    %get3A_319 = vector.shape_cast %get3A_318 : vector<1x1x64xf32> to vector<1x64xf32>
    %convert_element_type3A_320 = arith.truncf %add3A_171 : vector<3072x64xf32> to vector<3072x64xbf16>
    %convert_element_type3A_321 = arith.truncf %get3A_284 : vector<64x64xf32> to vector<64x64xbf16>
    %dot_general3A_322 = arith.constant dense<0.000000e+00> : vector<3072x64xf32>
    %dot_general3A_323 = tpu.matmul %convert_element_type3A_320, %convert_element_type3A_321, %dot_general3A_322 {dimension_numbers = #tpu.dot_dimension_numbers<[1], [0], [0], [1], [0, 0, 1, 1], [], []>, transpose_lhs_hint = false} : vector<3072x64xbf16>, vector<64x64xbf16>, vector<3072x64xf32> -> vector<3072x64xf32>
    %add3A_324 = vector.broadcast %get3A_304 : vector<1x64xf32> to vector<3072x64xf32>
    %add3A_325 = arith.addf %dot_general3A_323, %add3A_324 : vector<3072x64xf32>
    %convert_element_type3A_326 = arith.truncf %add3A_171 : vector<3072x64xf32> to vector<3072x64xbf16>
    %convert_element_type3A_327 = arith.truncf %get3A_289 : vector<64x64xf32> to vector<64x64xbf16>
    %dot_general3A_328 = arith.constant dense<0.000000e+00> : vector<3072x64xf32>
    %dot_general3A_329 = tpu.matmul %convert_element_type3A_326, %convert_element_type3A_327, %dot_general3A_328 {dimension_numbers = #tpu.dot_dimension_numbers<[1], [0], [0], [1], [0, 0, 1, 1], [], []>, transpose_lhs_hint = false} : vector<3072x64xbf16>, vector<64x64xbf16>, vector<3072x64xf32> -> vector<3072x64xf32>
    %add3A_330 = vector.broadcast %get3A_309 : vector<1x64xf32> to vector<3072x64xf32>
    %add3A_331 = arith.addf %dot_general3A_329, %add3A_330 : vector<3072x64xf32>
    %convert_element_type3A_332 = arith.truncf %add3A_225 : vector<3072x64xf32> to vector<3072x64xbf16>
    %convert_element_type3A_333 = arith.truncf %get3A_289 : vector<64x64xf32> to vector<64x64xbf16>
    %dot_general3A_334 = arith.constant dense<0.000000e+00> : vector<3072x64xf32>
    %dot_general3A_335 = tpu.matmul %convert_element_type3A_332, %convert_element_type3A_333, %dot_general3A_334 {dimension_numbers = #tpu.dot_dimension_numbers<[1], [0], [0], [1], [0, 0, 1, 1], [], []>, transpose_lhs_hint = false} : vector<3072x64xbf16>, vector<64x64xbf16>, vector<3072x64xf32> -> vector<3072x64xf32>
    %add3A_336 = vector.broadcast %get3A_309 : vector<1x64xf32> to vector<3072x64xf32>
    %add3A_337 = arith.addf %dot_general3A_335, %add3A_336 : vector<3072x64xf32>
    %convert_element_type3A_338 = arith.truncf %add3A_279 : vector<3072x64xf32> to vector<3072x64xbf16>
    %convert_element_type3A_339 = arith.truncf %get3A_289 : vector<64x64xf32> to vector<64x64xbf16>
    %dot_general3A_340 = arith.constant dense<0.000000e+00> : vector<3072x64xf32>
    %dot_general3A_341 = tpu.matmul %convert_element_type3A_338, %convert_element_type3A_339, %dot_general3A_340 {dimension_numbers = #tpu.dot_dimension_numbers<[1], [0], [0], [1], [0, 0, 1, 1], [], []>, transpose_lhs_hint = false} : vector<3072x64xbf16>, vector<64x64xbf16>, vector<3072x64xf32> -> vector<3072x64xf32>
    %add3A_342 = vector.broadcast %get3A_309 : vector<1x64xf32> to vector<3072x64xf32>
    %add3A_343 = arith.addf %dot_general3A_341, %add3A_342 : vector<3072x64xf32>
    %convert_element_type3A_344 = arith.truncf %add3A_171 : vector<3072x64xf32> to vector<3072x64xbf16>
    %convert_element_type3A_345 = arith.truncf %get3A_294 : vector<64x64xf32> to vector<64x64xbf16>
    %dot_general3A_346 = arith.constant dense<0.000000e+00> : vector<3072x64xf32>
    %dot_general3A_347 = tpu.matmul %convert_element_type3A_344, %convert_element_type3A_345, %dot_general3A_346 {dimension_numbers = #tpu.dot_dimension_numbers<[1], [0], [0], [1], [0, 0, 1, 1], [], []>, transpose_lhs_hint = false} : vector<3072x64xbf16>, vector<64x64xbf16>, vector<3072x64xf32> -> vector<3072x64xf32>
    %add3A_348 = vector.broadcast %get3A_314 : vector<1x64xf32> to vector<3072x64xf32>
    %add3A_349 = arith.addf %dot_general3A_347, %add3A_348 : vector<3072x64xf32>
    %convert_element_type3A_350 = arith.truncf %add3A_225 : vector<3072x64xf32> to vector<3072x64xbf16>
    %convert_element_type3A_351 = arith.truncf %get3A_294 : vector<64x64xf32> to vector<64x64xbf16>
    %dot_general3A_352 = arith.constant dense<0.000000e+00> : vector<3072x64xf32>
    %dot_general3A_353 = tpu.matmul %convert_element_type3A_350, %convert_element_type3A_351, %dot_general3A_352 {dimension_numbers = #tpu.dot_dimension_numbers<[1], [0], [0], [1], [0, 0, 1, 1], [], []>, transpose_lhs_hint = false} : vector<3072x64xbf16>, vector<64x64xbf16>, vector<3072x64xf32> -> vector<3072x64xf32>
    %add3A_354 = vector.broadcast %get3A_314 : vector<1x64xf32> to vector<3072x64xf32>
    %add3A_355 = arith.addf %dot_general3A_353, %add3A_354 : vector<3072x64xf32>
    %convert_element_type3A_356 = arith.truncf %add3A_279 : vector<3072x64xf32> to vector<3072x64xbf16>
    %convert_element_type3A_357 = arith.truncf %get3A_294 : vector<64x64xf32> to vector<64x64xbf16>
    %dot_general3A_358 = arith.constant dense<0.000000e+00> : vector<3072x64xf32>
    %dot_general3A_359 = tpu.matmul %convert_element_type3A_356, %convert_element_type3A_357, %dot_general3A_358 {dimension_numbers = #tpu.dot_dimension_numbers<[1], [0], [0], [1], [0, 0, 1, 1], [], []>, transpose_lhs_hint = false} : vector<3072x64xbf16>, vector<64x64xbf16>, vector<3072x64xf32> -> vector<3072x64xf32>
    %add3A_360 = vector.broadcast %get3A_314 : vector<1x64xf32> to vector<3072x64xf32>
    %add3A_361 = arith.addf %dot_general3A_359, %add3A_360 : vector<3072x64xf32>
    %convert_element_type3A_362 = arith.truncf %add3A_325 : vector<3072x64xf32> to vector<3072x64xbf16>
    %convert_element_type3A_363 = arith.extf %convert_element_type3A_362 : vector<3072x64xbf16> to vector<3072x64xf32>
    %convert_element_type3A_364 = arith.truncf %add3A_331 : vector<3072x64xf32> to vector<3072x64xbf16>
    %convert_element_type3A_365 = arith.extf %convert_element_type3A_364 : vector<3072x64xbf16> to vector<3072x64xf32>
    %convert_element_type3A_366 = arith.truncf %add3A_337 : vector<3072x64xf32> to vector<3072x64xbf16>
    %convert_element_type3A_367 = arith.extf %convert_element_type3A_366 : vector<3072x64xbf16> to vector<3072x64xf32>
    %convert_element_type3A_368 = arith.truncf %add3A_343 : vector<3072x64xf32> to vector<3072x64xbf16>
    %convert_element_type3A_369 = arith.extf %convert_element_type3A_368 : vector<3072x64xbf16> to vector<3072x64xf32>
    %convert_element_type3A_370 = arith.truncf %add3A_349 : vector<3072x64xf32> to vector<3072x64xbf16>
    %convert_element_type3A_371 = arith.extf %convert_element_type3A_370 : vector<3072x64xbf16> to vector<3072x64xf32>
    %convert_element_type3A_372 = arith.truncf %add3A_355 : vector<3072x64xf32> to vector<3072x64xbf16>
    %convert_element_type3A_373 = arith.extf %convert_element_type3A_372 : vector<3072x64xbf16> to vector<3072x64xf32>
    %convert_element_type3A_374 = arith.truncf %add3A_361 : vector<3072x64xf32> to vector<3072x64xbf16>
    %convert_element_type3A_375 = arith.extf %convert_element_type3A_374 : vector<3072x64xbf16> to vector<3072x64xf32>
    %mul3A_376 = arith.mulf %convert_element_type3A_363, %convert_element_type3A_365 : vector<3072x64xf32>
    %reduce_sum3A_377 = arith.constant dense<0.000000e+00> : vector<3072xf32>
    %reduce_sum3A_378 = vector.multi_reduction <add>, %mul3A_376, %reduce_sum3A_377 [1] : vector<3072x64xf32> to vector<3072xf32>
    %broadcast_in_dim3A_379 = vector.shape_cast %reduce_sum3A_378 : vector<3072xf32> to vector<3072x1xf32>
    %mul3A_380 = arith.constant 2.500000e-01 : f32
    %mul3A_381 = vector.broadcast %mul3A_380 : f32 to vector<3072x1xf32>
    %mul3A_382 = arith.mulf %broadcast_in_dim3A_379, %mul3A_381 : vector<3072x1xf32>
    %mul3A_383 = arith.mulf %convert_element_type3A_363, %convert_element_type3A_367 : vector<3072x64xf32>
    %reduce_sum3A_384 = arith.constant dense<0.000000e+00> : vector<3072xf32>
    %reduce_sum3A_385 = vector.multi_reduction <add>, %mul3A_383, %reduce_sum3A_384 [1] : vector<3072x64xf32> to vector<3072xf32>
    %broadcast_in_dim3A_386 = vector.shape_cast %reduce_sum3A_385 : vector<3072xf32> to vector<3072x1xf32>
    %mul3A_387 = arith.constant 2.500000e-01 : f32
    %mul3A_388 = vector.broadcast %mul3A_387 : f32 to vector<3072x1xf32>
    %mul3A_389 = arith.mulf %broadcast_in_dim3A_386, %mul3A_388 : vector<3072x1xf32>
    %mul3A_390 = arith.mulf %convert_element_type3A_363, %convert_element_type3A_369 : vector<3072x64xf32>
    %reduce_sum3A_391 = arith.constant dense<0.000000e+00> : vector<3072xf32>
    %reduce_sum3A_392 = vector.multi_reduction <add>, %mul3A_390, %reduce_sum3A_391 [1] : vector<3072x64xf32> to vector<3072xf32>
    %broadcast_in_dim3A_393 = vector.shape_cast %reduce_sum3A_392 : vector<3072xf32> to vector<3072x1xf32>
    %mul3A_394 = arith.constant 2.500000e-01 : f32
    %mul3A_395 = vector.broadcast %mul3A_394 : f32 to vector<3072x1xf32>
    %mul3A_396 = arith.mulf %broadcast_in_dim3A_393, %mul3A_395 : vector<3072x1xf32>
    %max3A_397 = arith.maximumf %mul3A_382, %mul3A_389 : vector<3072x1xf32>
    %max3A_398 = arith.maximumf %max3A_397, %mul3A_396 : vector<3072x1xf32>
    %sub3A_399 = arith.subf %mul3A_382, %max3A_398 : vector<3072x1xf32>
    %exp3A_400 = math.exp %sub3A_399 : vector<3072x1xf32>
    %sub3A_401 = arith.subf %mul3A_389, %max3A_398 : vector<3072x1xf32>
    %exp3A_402 = math.exp %sub3A_401 : vector<3072x1xf32>
    %sub3A_403 = arith.subf %mul3A_396, %max3A_398 : vector<3072x1xf32>
    %exp3A_404 = math.exp %sub3A_403 : vector<3072x1xf32>
    %add3A_405 = arith.addf %exp3A_400, %exp3A_402 : vector<3072x1xf32>
    %add3A_406 = arith.addf %add3A_405, %exp3A_404 : vector<3072x1xf32>
    %div3A_407 = arith.divf %exp3A_400, %add3A_406 : vector<3072x1xf32>
    %convert_element_type3A_408 = arith.truncf %div3A_407 : vector<3072x1xf32> to vector<3072x1xbf16>
    %convert_element_type3A_409 = arith.extf %convert_element_type3A_408 : vector<3072x1xbf16> to vector<3072x1xf32>
    %div3A_410 = arith.divf %exp3A_402, %add3A_406 : vector<3072x1xf32>
    %convert_element_type3A_411 = arith.truncf %div3A_410 : vector<3072x1xf32> to vector<3072x1xbf16>
    %convert_element_type3A_412 = arith.extf %convert_element_type3A_411 : vector<3072x1xbf16> to vector<3072x1xf32>
    %div3A_413 = arith.divf %exp3A_404, %add3A_406 : vector<3072x1xf32>
    %convert_element_type3A_414 = arith.truncf %div3A_413 : vector<3072x1xf32> to vector<3072x1xbf16>
    %convert_element_type3A_415 = arith.extf %convert_element_type3A_414 : vector<3072x1xbf16> to vector<3072x1xf32>
    %mul3A_416 = vector.broadcast %convert_element_type3A_409 : vector<3072x1xf32> to vector<3072x64xf32>
    %mul3A_417 = arith.mulf %mul3A_416, %convert_element_type3A_371 : vector<3072x64xf32>
    %mul3A_418 = vector.broadcast %convert_element_type3A_412 : vector<3072x1xf32> to vector<3072x64xf32>
    %mul3A_419 = arith.mulf %mul3A_418, %convert_element_type3A_373 : vector<3072x64xf32>
    %add3A_420 = arith.addf %mul3A_417, %mul3A_419 : vector<3072x64xf32>
    %mul3A_421 = vector.broadcast %convert_element_type3A_415 : vector<3072x1xf32> to vector<3072x64xf32>
    %mul3A_422 = arith.mulf %mul3A_421, %convert_element_type3A_375 : vector<3072x64xf32>
    %add3A_423 = arith.addf %add3A_420, %mul3A_422 : vector<3072x64xf32>
    %convert_element_type3A_424 = arith.truncf %add3A_423 : vector<3072x64xf32> to vector<3072x64xbf16>
    %convert_element_type3A_425 = arith.truncf %get3A_299 : vector<64x64xf32> to vector<64x64xbf16>
    %dot_general3A_426 = arith.constant dense<0.000000e+00> : vector<3072x64xf32>
    %dot_general3A_427 = tpu.matmul %convert_element_type3A_424, %convert_element_type3A_425, %dot_general3A_426 {dimension_numbers = #tpu.dot_dimension_numbers<[1], [0], [0], [1], [0, 0, 1, 1], [], []>, transpose_lhs_hint = false} : vector<3072x64xbf16>, vector<64x64xbf16>, vector<3072x64xf32> -> vector<3072x64xf32>
    %add3A_428 = vector.broadcast %get3A_319 : vector<1x64xf32> to vector<3072x64xf32>
    %add3A_429 = arith.addf %dot_general3A_427, %add3A_428 : vector<3072x64xf32>
    %get3A_430 = arith.constant 0 : index
    %get3A_431 = arith.constant 0 : index
    %get3A_432 = vector.load %arg11[%get3A_430, %get3A_431] : memref<64x64xf32, #tpu.memory_space<vmem>>, vector<64x64xf32>
    %convert_element_type3A_433 = arith.truncf %add3A_429 : vector<3072x64xf32> to vector<3072x64xbf16>
    %convert_element_type3A_434 = arith.truncf %get3A_432 : vector<64x64xf32> to vector<64x64xbf16>
    %dot_general3A_435 = arith.constant dense<0.000000e+00> : vector<3072x64xf32>
    %dot_general3A_436 = tpu.matmul %convert_element_type3A_433, %convert_element_type3A_434, %dot_general3A_435 {dimension_numbers = #tpu.dot_dimension_numbers<[1], [0], [0], [1], [0, 0, 1, 1], [], []>, transpose_lhs_hint = false} : vector<3072x64xbf16>, vector<64x64xbf16>, vector<3072x64xf32> -> vector<3072x64xf32>
    %get3A_437 = arith.constant 0 : index
    %get3A_438 = arith.constant 0 : index
    %get3A_439 = vector.load %arg12[%get3A_437, %get3A_438] : memref<1x64xf32, #tpu.memory_space<vmem>>, vector<1x64xf32>
    %add3A_440 = vector.broadcast %get3A_439 : vector<1x64xf32> to vector<3072x64xf32>
    %add3A_441 = arith.addf %dot_general3A_436, %add3A_440 : vector<3072x64xf32>
    %tanh3A = math.tanh %add3A_441 : vector<3072x64xf32>
    %get3A_442 = arith.constant 0 : index
    %get3A_443 = arith.constant 0 : index
    %get3A_444 = vector.load %arg13[%get3A_442, %get3A_443] : memref<64x128xf32, #tpu.memory_space<vmem>>, vector<64x128xf32>
    %convert_element_type3A_445 = arith.truncf %tanh3A : vector<3072x64xf32> to vector<3072x64xbf16>
    %convert_element_type3A_446 = arith.truncf %get3A_444 : vector<64x128xf32> to vector<64x128xbf16>
    %dot_general3A_447 = arith.constant dense<0.000000e+00> : vector<3072x128xf32>
    %dot_general3A_448 = tpu.matmul %convert_element_type3A_445, %convert_element_type3A_446, %dot_general3A_447 {dimension_numbers = #tpu.dot_dimension_numbers<[1], [0], [0], [1], [0, 0, 1, 1], [], []>, transpose_lhs_hint = false} : vector<3072x64xbf16>, vector<64x128xbf16>, vector<3072x128xf32> -> vector<3072x128xf32>
    %get3A_449 = arith.constant 0 : index
    %get3A_450 = arith.constant 0 : index
    %get3A_451 = vector.load %arg14[%get3A_449, %get3A_450] : memref<1x128xf32, #tpu.memory_space<vmem>>, vector<1x128xf32>
    %add3A_452 = vector.broadcast %get3A_451 : vector<1x128xf32> to vector<3072x128xf32>
    %add3A_453 = arith.addf %dot_general3A_448, %add3A_452 : vector<3072x128xf32>
    %iota3A_454 = tpu.iota {dimensions = array<i32: 1>} : vector<3072x128xi32>
    %eq3A_455 = vector.broadcast %convert_element_type3A : vector<3072x1xi32> to vector<3072x128xi32>
    %eq3A_456 = arith.cmpi eq, %iota3A_454, %eq3A_455 : vector<3072x128xi32>
    %jit3A_457 = arith.constant 1.000000e+00 : f32
    %jit3A_458 = arith.constant 0.000000e+00 : f32
    %broadcast_in_dim3A_459 = vector.broadcast %jit3A_457 : f32 to vector<3072x128xf32>
    %broadcast_in_dim3A_460 = vector.broadcast %jit3A_458 : f32 to vector<3072x128xf32>
    %select_n3A_461 = arith.select %eq3A_456, %broadcast_in_dim3A_459, %broadcast_in_dim3A_460 : vector<3072x128xi1>, vector<3072x128xf32>
    %mul3A_462 = arith.constant 5.000000e-01 : f32
    %mul3A_463 = vector.broadcast %mul3A_462 : f32 to vector<3072x128xf32>
    %mul3A_464 = arith.mulf %mul3A_463, %add3A_453 : vector<3072x128xf32>
    %mul3A_465 = arith.constant 5.000000e-01 : f32
    %mul3A_466 = vector.broadcast %mul3A_465 : f32 to vector<3072x128xf32>
    %mul3A_467 = arith.mulf %mul3A_466, %select_n3A_461 : vector<3072x128xf32>
    %add3A_468 = arith.addf %mul3A_464, %mul3A_467 : vector<3072x128xf32>
    %reshape3A = vector.shape_cast %add3A_468 : vector<3072x128xf32> to vector<1024x3x128xf32>
    %reduce_sum3A_469 = arith.constant dense<0.000000e+00> : vector<1024x128xf32>
    %reduce_sum3A_470 = vector.multi_reduction <add>, %reshape3A, %reduce_sum3A_469 [1] : vector<1024x3x128xf32> to vector<1024x128xf32>
    %mul3A_471 = arith.constant 0.333333343 : f32
    %mul3A_472 = vector.broadcast %mul3A_471 : f32 to vector<1024x128xf32>
    %mul3A_473 = arith.mulf %reduce_sum3A_470, %mul3A_472 : vector<1024x128xf32>
    %swap3A = arith.constant 0 : index
    %swap3A_474 = arith.constant 0 : index
    %swap3A_475 = vector.load %arg15[%swap3A, %swap3A_474] : memref<1024x128xf32, #tpu.memory_space<vmem>>, vector<1024x128xf32>
    tpu.vector_store %arg15[%swap3A, %swap3A_474], %mul3A_473 {strides = array<i32>} : memref<1024x128xf32, #tpu.memory_space<vmem>>, vector<1024x128xf32>,
    return
  }
}

</mosaic_0001>

<sc_bundles>
// kernel: kernel.5.cloned.1.call-start
scs
__scs_entry_jumppad:
0x0: {  	(pc) =	sbr.rel $0x88, $3  }
0x1: {  	(tag) =	ssettag $0x0;
	lr =	simm.s32 $0x1  }
0x2: {  	[smem:$0x3F93] =	sst lr;
	_ =	strace $0xD0000000  }
0x3: {  	_ = 	snop  }
0x4: {  	_ = 	snop  }
0x5: {  	_ = 	snop  }
0x6: {  	_ = 	snop  }
0x7: {  	_ = 	snop  }
__scs_overlays_trampoline_lowered:
0x8: {  	[smem:$0x3FA2] =	sst s0  }
0x9: {  	[smem:$0x3FA3] =	sst s1  }
0xa: {  	[smem:$0x3FA4] =	sst s2  }
0xb: {  	[smem:$0x3FA5] =	sst s3  }
0xc: {  	[smem:$0x3FA6] =	sst s4  }
0xd: {  	[smem:$0x3FA7] =	sst s5  }
0xe: {  	[smem:$0x3FA8] =	sst s6  }
0xf: {  	[smem:$0x3FA9] =	sst s7  }
0x10: {  	[smem:$0x3FAA] =	sst s8  }
0x11: {  	[smem:$0x3FAB] =	sst s9;
	s0 =	simm.s32 @!p0 $0x0  }
0x12: {  	s1 =	sld [smem:$0x3F91];
	s0 =	simm.s32 @p0 $0x1  }
0x13: {  	[smem:$0x3FAC] =	sst s0;
	s0 =	simm.s32 @!p1 $0x0  }
0x14: {  	s2 =	sld [smem:$0x3F90];
	s0 =	simm.s32 @p1 $0x1  }
0x15: {  	[smem:$0x3FAD] =	sst s0;
	s0 =	simm.s32 @!p2 $0x0  }
0x16: {  	s3 =	sld [smem:$0x3FDB];
	s0 =	simm.s32 @p2 $0x1  }
0x17: {  	s4 =	simm.s32 $0x1BF5;
	[smem:$0x3FAF] =	sst s0  }
0x18: {  	s0 =	sld [smem:$0x3F92];
	_ =	swait.ge [sflag:s4], $0x0  }
0x19: {  	s7 =	sld [smem:$0x3F93]  }
0x1a: {  	s8 =	sadd.s32 $0xFFFFE003, lr  }
0x1b: {  	s9 =	sadd.s32 $0xFFFFFEF7, lr;
	s5 =	simm.s32 $0xFFFFFFFF;
	p2 =	slt.u32 s8, $0xFFFFF086  }
0x1c: {  	p1 =	slt.u32 s9, $0xF7A;
	s5 =	simm.s32 @!p2 $0x0  }
0x1d: {  	s5 =	simm.s32 @p1 $0x1;
	p0 =	seq.s32 s7, s2  }
0x1e: {  	s7 =	smul.u32 @!p0 $0xF7A, s2;
	p2 =	seq.s32 @!p0 s5, $0x0  }
0x1f: {  	s9 =	smul.u32 $0xF7A, s1;
	s8 =	simm.s32 @!p0 $0x1BF5;
	p2 =	por !p2, p0  }
0x20: {  	[sflag:s8] =	ssyncset.s32 @!p0 $0xFFFFF086;
	s6 =	sadd.s32 @!p0 s3, s7;
	s7 =	simm.s32 @!p0 $0x108  }
0x21: {  	s3 =	sadd.s32 s3, s9;
	s6 =	sadd.s32 @!p0 $0x88, s6;
	s7 =	simm.s32 @p2 $0x1082  }
0x22: {  	[simem:s7], [sflag:s8] =	dma.local @!p0 [hbm:s6], $0xF7A  }
0x23: {  	s9 =	sor.u32 $0xD0000000, s2;
	s6 =	simm.s32 $0x108;
	_ =	swait.ge @!p0 [sflag:s8], $0x0  }
0x24: {  	s3 =	sadd.s32 $0x88, s3;
	s6 =	simm.s32 @!p1 $0x1082;
	[sflag:s4] =	ssyncset.s32 $0xFFFFF086  }
0x25: {  	[simem:s6], [sflag:s4] =	dma.local [hbm:s3], $0xF7A  }
0x26: {  	[smem:$0x3F93] =	sst s1;
	(tag) =	ssettag s2;
	_ =	strace s9  }
0x27: {  	s1 =	sld [smem:$0x3FA3]  }
0x28: {  	s2 =	sld [smem:$0x3FA4]  }
0x29: {  	s4 =	sld [smem:$0x3FA6]  }
0x2a: {  	p0 =	seq.s32 s5, $0x0;
	s5 =	sld [smem:$0x3FA7]  }
0x2b: {  	s6 =	sld [smem:$0x3FA8]  }
0x2c: {  	s7 =	sld [smem:$0x3FA9]  }
0x2d: {  	s3 =	simm.s32 $0x108;
	s8 =	sld [smem:$0x3FAA]  }
0x2e: {  	s3 =	simm.s32 @!p0 $0x1082;
	s9 =	sld [smem:$0x3FAB]  }
0x2f: {  	lr =	sadd.s32 s0, s3;
	s0 =	sld [smem:$0x3FA2]  }
0x30: {  	s3 =	sld [smem:$0x3FA5]  }
0x31: {  	[smem:$0x3FAE] =	sst s10  }
0x32: {  	s10 =	sld [smem:$0x3FAC];
	_ =	sdelay $0x3  }
0x33: {  	p0 =	seq.s32 s10, $0x1;
	s10 =	sld [smem:$0x3FAE];
	_ =	sdelay $0x3  }
0x34: {  	[smem:$0x3FAE] =	sst s10  }
0x35: {  	s10 =	sld [smem:$0x3FAD];
	_ =	sdelay $0x3  }
0x36: {  	p1 =	seq.s32 s10, $0x1;
	s10 =	sld [smem:$0x3FAE];
	_ =	sdelay $0x3  }
0x37: {  	[smem:$0x3FAE] =	sst s10  }
0x38: {  	s10 =	sld [smem:$0x3FAF]  }
0x39: {  	_ = 	snop;
	(pc) =	sbr.ind lr, $3  }
0x3a: {  	_ = 	snop  }
0x3b: {  	_ = 	snop  }
0x3c: {  	p2 =	seq.s32 s10, $0x1;
	s10 =	sld [smem:$0x3FAE]  }
0x3d: {  	_ =	shalt  }
0x3e: {  	_ =	shalt  }
0x3f: {  	_ =	shalt  }
0x40: {  	_ =	shalt  }
0x41: {  	_ =	shalt  }
0x42: {  	_ =	shalt  }
0x43: {  	_ =	shalt  }
0x44: {  	_ =	shalt  }
0x45: {  	_ =	shalt  }
0x46: {  	_ =	shalt  }
0x47: {  	_ =	shalt  }
0x48: {  	_ =	shalt  }
0x49: {  	_ =	shalt  }
0x4a: {  	_ =	shalt  }
0x4b: {  	_ =	shalt  }
0x4c: {  	_ =	shalt  }
0x4d: {  	_ =	shalt  }
0x4e: {  	_ =	shalt  }
0x4f: {  	_ =	shalt  }
0x50: {  	_ =	shalt  }
0x51: {  	_ =	shalt  }
0x52: {  	_ =	shalt  }
0x53: {  	_ =	shalt  }
0x54: {  	_ =	shalt  }
0x55: {  	_ =	shalt  }
0x56: {  	_ =	shalt  }
0x57: {  	_ =	shalt  }
0x58: {  	_ =	shalt  }
0x59: {  	_ =	shalt  }
0x5a: {  	_ =	shalt  }
0x5b: {  	_ =	shalt  }
0x5c: {  	_ =	shalt  }
0x5d: {  	_ =	shalt  }
0x5e: {  	_ =	shalt  }
0x5f: {  	_ =	shalt  }
0x60: {  	_ =	shalt  }
0x61: {  	_ =	shalt  }
0x62: {  	_ =	shalt  }
0x63: {  	_ =	shalt  }
0x64: {  	_ =	shalt  }
0x65: {  	_ =	shalt  }
0x66: {  	_ =	shalt  }
0x67: {  	_ =	shalt  }
0x68: {  	_ =	shalt  }
0x69: {  	_ =	shalt  }
0x6a: {  	_ =	shalt  }
0x6b: {  	_ =	shalt  }
0x6c: {  	_ =	shalt  }
0x6d: {  	_ =	shalt  }
0x6e: {  	_ =	shalt  }
0x6f: {  	_ =	shalt  }
0x70: {  	_ =	shalt  }
0x71: {  	_ =	shalt  }
0x72: {  	_ =	shalt  }
0x73: {  	_ =	shalt  }
0x74: {  	_ =	shalt  }
0x75: {  	_ =	shalt  }
0x76: {  	_ =	shalt  }
0x77: {  	_ =	shalt  }
0x78: {  	_ =	shalt  }
0x79: {  	_ =	shalt  }
0x7a: {  	_ =	shalt  }
0x7b: {  	_ =	shalt  }
0x7c: {  	_ =	shalt  }
0x7d: {  	_ =	shalt  }
0x7e: {  	_ =	shalt  }
0x7f: {  	_ =	shalt  }
0x80: {  	_ =	shalt  }
0x81: {  	_ =	shalt  }
0x82: {  	_ =	shalt  }
0x83: {  	_ =	shalt  }
0x84: {  	_ =	shalt  }
0x85: {  	_ =	shalt  }
0x86: {  	_ =	shalt  }
0x87: {  	_ =	shalt  }
.Lfunc_end0:
.L_simem_size_0:
called_computation_lowered:
.L_overlay_start_0:
0x88: {  	s2 =	sld [smem:$0x3FD9]  }
0x89: {  	s3 =	sld [smem:$0x3FFE];
	_ =	sdelay $0x1  }
0x8a: {  	s1 =	srdreg.scid  }
0x8b: {  	s0 =	sand.u32 $0x1, s1  }
0x8c: {  	s17 =	sshll.u32 s0, $0xA;
	s2 =	sadd.s32 s3, s2  }
0x8d: {  	s2 =	sadd.s32 s2, s17  }
0x8e: {  	[smem:$0x3FBA] =	sst s2  }
0x8f: {  	_ = 	snop  }
0x90: {  	s2 =	sld [smem:$0x3FD0];
	(tm) =	ssettm $0x1  }
0x91: {  	s18 =	sld [smem:$0x3FFB];
	_ =	sdelay $0x3  }
0x92: {  	_ =	strace s18  }
0x93: {  	s3 =	sld [smem:$0x3FFC];
	_ =	sdelay $0x3  }
0x94: {  	_ =	strace s3  }
0x95: {  	s3 =	sld [smem:$0x3FFD];
	_ =	sdelay $0x3  }
0x96: {  	_ =	strace s3  }
0x97: {  	_ =	strace $0x8FFFFFFF  }
0x98: {  	s19 =	sld [smem:$0x3FDB];
	_ =	sdelay $0x1  }
0x99: {  	s4 =	simm.s32 $_scs_section_size  }
0x9a: {  	s5 =	simm.s32 $_size__tile_overlayer_lowered;
	s6 =	simm.s32 $_tile_overlayer_lowered  }
0x9b: {  	s22 =	simm.s32 $0x1BFF;
	s21 =	sshll.u32 s6, $0x1;
	s3 =	sadd.s32 s4, s19  }
0x9c: {  	s7 =	simm.s32 $0x0;
	s20 =	sshll.u32 s5, $0x1;
	s5 =	sadd.s32 s21, s3  }
0x9d: {  	[timem:s7], [sflag:s22] =	dma.local [hbm:s5], s20  }
0x9e: {  	_ =	swait.ge [sflag:s22], s20  }
0x9f: {  	s4 =	ssub.s32 $0x0, s20;
	[sflag:s22] =	ssyncset.done $0x0  }
0xa0: {  	[sflag:s22] =	ssyncadd.s32 s4;
	_ =	sdelay $0x1  }
0xa1: {  	s23 =	simm.s32 $0x1B8B  }
0xa2: {  	_ =	swait.ge [sflag:s23], $0x1  }
0xa3: {  	[sflag:s23] =	ssyncset.done $0x0  }
0xa4: {  	s25 =	simm.s32 $0x1B8E;
	s24 =	sld [smem:$0x3FFE];
	[sflag:s23] =	ssyncadd.s32 $0xFFFFFFFF  }
0xa5: {  	s26 =	simm.s32 $execute0_lowered;
	[smem:$0x3FD2] =	sst s25  }
0xa6: {  	s5 =	sshll.u32 s26, $0x1;
	_ =	strace $0x80000046;
	[dreg:$0x1] =	wrdreg $0xFFFFFFFF  }
0xa7: {  	s28 =	simm.s32 $_size_execute0_lowered;
	s3 =	sadd.s32 s3, s5;
	[dreg:$0x0] =	wrdreg $0x0  }
0xa8: {  	s5 =	sshll.u32 s28, $0x1;
	[dreg:$0x2] =	wrdreg s3  }
0xa9: {  	[dreg:$0x3] =	wrdreg s5  }
0xaa: {  	[dreg:$0x4] =	wrdreg $0xC0  }
0xab: {  	_ =	task [dreg:s7], $0x5FFFF  }
0xac: {  	[dreg:$0x1] =	wrdreg $0xFFFFFFFF  }
0xad: {  	[dreg:$0x0] =	wrdreg $0x60  }
0xae: {  	[dreg:$0x2] =	wrdreg s24  }
0xaf: {  	[dreg:$0x3] =	wrdreg s2  }
0xb0: {  	[dreg:$0x4] =	wrdreg $0x9  }
0xb1: {  	_ =	task.clear_ibuf [dreg:s7], $0x5FFFF;
	_ =	strace $0x90000046  }
0xb2: {  	s29 =	simm.s32 $0x9;
	_ =	strace $0x80000048  }
0xb3: {  	_ =	swait.ge [sflag:s29], $0x1  }
0xb4: {  	[sflag:s29] =	ssyncadd.s32 $0xFFFFFFFF  }
0xb5: {  	_ =	strace $0x90000048  }
0xb6: {  	_ =	sfence  }
0xb7: {  	s30 =	sld [smem:$0x0];
	_ =	sdelay $0x2  }
0xb8: {  	s31 =	sshll.u32 s1, $0xD;
	s1 =	sshrl.u32 s1, $0x2  }
0xb9: {  	s3 =	sand.u32 $0x4000, s31;
	s1 =	sadd.s32 s1, s30  }
0xba: {  	s0 =	sor.u32 s3, s0;
	s1 =	sshll.u32 s1, $0x11  }
0xbb: {  	s0 =	sor.u32 s1, s0  }
0xbc: {  	s0 =	sadd.s32 $0x8F2B, s0  }
0xbd: {  	[sflag:s0] =	ssyncadd.remote.s32 $0x1  }
0xbe: {  	_ =	sfence.sel $0xFFFF  }
0xbf: {  	[dreg:$0x0] =	wrdreg $0xFFFFFFFF;
	(pc) =	sbr.abs _section_cstart, $3  }
0xc0: {  	[dreg:$0x1] =	wrdreg $0xFFFFFFFF  }
0xc1: {  	_ =	task.clear_ibuf [dreg:s7], $0x2FFFF;
	_ =	strace $0x9FFFFFFF  }
0xc2: {  	(tm) =	ssettm $0x7FFFFFFF  }
0xc3: {  	_ =	shalt  }
tec
execute0_lowered:
.L_overlay_start_1:
0x0: {  	(tag) =	ssettag $0x1  }
0x1: {  	s1 =	srdreg.scid  }
0x2: {  	s0 =	stileid.u32;
	s9 =	rddreg [dreg:$0x0]  }
0x3: {  	s3 =	rddreg [dreg:$0x1];
	s6 =	sand.u32 $0x1, s1;
	s30 =	sshll.u32 s0, $0x1  }
0x4: {  	s2 =	simm.s32 $0x0;
	s1 =	rddreg [dreg:$0x2];
	s7 =	sor.u32 s6, s30  }
0x5: {  	s8 =	simm.s32 $0x1;
	[smem:$0x7FF] =	sst s2;
	s4 =	smul.u32 $0xC, s7  }
0x6: {  	s5 =	sadd.s32 $0x30E400, s9;
	_ =	strace $0x80000047;
	s11 =	ssub.s32 $0x2, s6  }
0x7: {  	s6 =	simm.s32 $0x60;
	s4 =	sadd.s32 s3, s4;
	s3 =	simm.s32 $0x2  }
0x8: {  	[tilespmem:s2], [sflag:$0x2] =	stream.linear.gather [hbm4b:s4+s2], $0x60, $0x38;
	[tilespmem:$0x3080] =	vst v63  }
0x9: {  	s10 =	smul.u32 $0x600, s7;
	s12 =	sshrl.u32 s11, $0x1;
	_ =	swait.ge [sflag:s3], $0x60  }
0xa: {  	s7 =	simm.s32 $0x80;
	s31 =	ssub.s32 s11, s12;
	[sflag:s3] =	ssyncset.done $0x0  }
0xb: {  	s9 =	sadd.s32 s10, s9;
	s10 =	smax.u32 s31, $0x1;
	[sflag:s3] =	ssyncadd.s32 $0xFFFFFFA0  }
0xc: {  	[tilespmem:s7], [sflag:$0x1] =	stream.indirect.gather [hbm4b:s5+s6], $0x80, s2, s6, $0xb8;
	[tilespmem:$0x3080] =	vst v63  }
0xd: {  	p0 =	sne.s32 s10, $0x1;
	_ =	swait.ge [sflag:s8], $0x3000  }
.Ltmp0:
0xe: {  	[sflag:s8] =	ssyncset.done $0x0;
	(pc) =	sbr.rel @!p0 .LBB2_2-.Ltmp0, $4  }
0xf: {  	s9 =	sadd.s32 $0x1000, s9;
	[sflag:s8] =	ssyncadd.s32 $0xFFFFD000  }
0x10: {  	[hbm4b:s9+s2] =	stream.linear.scatter [tilespmem:s7], [sflag:$0x2], $0x3000, $0x38;
	[tilespmem:$0x3080] =	vst v63  }
0x11: {  	_ =	swait.ge [sflag:s3], $0x3000  }
0x12: {  	s10 =	sadd.s32 $0xFFFFFFFF, s10;
	[sflag:s3] =	ssyncset.done $0x0  }
.LBB2_1:
0x13: {  	p0 =	sne.s32 s10, $0x1;
	s10 =	sadd.s32 $0xFFFFFFFF, s10;
	[sflag:s3] =	ssyncadd.s32 $0xFFFFD000  }
0x14: {  	[tilespmem:s2], [sflag:$0x2] =	stream.linear.gather [hbm4b:s4+s2], $0x60, $0x38;
	[tilespmem:$0x3080] =	vst v63  }
0x15: {  	_ =	swait.ge [sflag:s3], $0x60  }
0x16: {  	[sflag:s3] =	ssyncset.done $0x0  }
0x17: {  	[sflag:s3] =	ssyncadd.s32 $0xFFFFFFA0  }
0x18: {  	[tilespmem:s7], [sflag:$0x1] =	stream.indirect.gather [hbm4b:s5+s6], $0x80, s2, s6, $0xb8;
	[tilespmem:$0x3080] =	vst v63  }
0x19: {  	_ =	swait.ge [sflag:s8], $0x3000  }
.Ltmp1:
0x1a: {  	[sflag:s8] =	ssyncset.done $0x0;
	(pc) =	sbr.rel @p0 .LBB2_1-.Ltmp1, $4  }
0x1b: {  	[sflag:s8] =	ssyncadd.s32 $0xFFFFD000  }
0x1c: {  	[hbm4b:s9+s2] =	stream.linear.scatter [tilespmem:s7], [sflag:$0x2], $0x3000, $0x38;
	[tilespmem:$0x3080] =	vst v63  }
0x1d: {  	_ =	swait.ge [sflag:s3], $0x3000  }
0x1e: {  	[sflag:s3] =	ssyncset.done $0x0  }
.LBB2_2:
0x1f: {  	[sflag:s3] =	ssyncadd.s32 $0xFFFFD000  }
0x20: {  	_ =	sfence.sel $0x180000  }
0x21: {  	[bflag:$0x0] =	sbarrier.arrive $0xFFFF  }
0x22: {  	p0 =	sne.s32 s0, $0x0;
	_ =	strace $0x90000047  }
0x23: {  	s0 =	sadd.s32 @!p0 $0x100000, s1;
	[bflag:$0x2] =	sbarrier.arrive $0xFFFF  }
0x24: {  	[sflag:s0] =	ssyncadd.tile.s32 @!p0 $0x1;
	_ =	shalt  }
.Lfunc_end2:
_tile_overlayer_lowered:
.L_overlay_start_2:
0x25: {  	(tag) =	ssettag $0x2  }
0x26: {  	s0 =	rddreg [dreg:$0x0];
	s2 =	stileid.u32  }
0x27: {  	s1 =	rddreg [dreg:$0x1];
	p0 =	sne.s32 s2, $0x0  }
0x28: {  	s3 =	rddreg [dreg:$0x2];
	[bflag:$0x3] =	sbarrier.arrive $0xFFFF;
	s2 =	simm.s32 @!p0 $0x1C02  }
0x29: {  	[timem:s3], [sflag:s2] =	dma.local @!p0 [hbm:s0], s1  }
0x2a: {  	s0 =	simm.s32 @!p0 $0x2  }
0x2b: {  	_ =	swait.ge @!p0 [sflag:s0], s1  }
0x2c: {  	s1 =	ssub.s32 @!p0 $0x0, s1;
	[sflag:s0] =	ssyncset.done @!p0 $0x0  }
0x2d: {  	[sflag:s0] =	ssyncadd.s32 @!p0 s1  }
0x2e: {  	[bflag:$0x3] =	sbarrier.arrive $0xFFFF  }
0x2f: {  	_ =	shalt  }

</sc_bundles>
